<compile_context>
chip_gen: v7x
topology: tpu7x:2x2x1
jax: 0.10.2.dev20260603
libtpu: 0.0.44.dev20260713+nightly
codegen_flags: <defaults>
</compile_context>

<pallas_src>
import functools

import numpy as np
import jax
import jax.numpy as jnp
from jax import lax
from jax.experimental import pallas as pl
from jax.experimental.pallas import tpu as pltpu
from jax.experimental.pallas import tpu_sc as plsc

_F32 = jnp.float32
_BF16 = jnp.bfloat16
_LATENT = 64
_K = 1024
_BN_EPS = 1e-3


def _s2d(x):
    B, H, W, C = x.shape
    x = x.reshape(B, H // 2, 2, W // 2, 2, C)
    x = x.transpose(0, 1, 3, 2, 4, 5)
    return x.reshape(B, H // 2, W // 2, 4 * C)


def _make_wg(w):
    Cin, Cout = w.shape[2], w.shape[3]
    mats = []
    for gi in range(2):
        for gj in range(2):
            rows = []
            for pi in range(2):
                for pj in range(2):
                    di, dj = 2 * gi + pi, 2 * gj + pj
                    if di <= 2 and dj <= 2:
                        rows.append(w[di, dj])
                    else:
                        rows.append(jnp.zeros((Cin, Cout), w.dtype))
            mats.append(jnp.concatenate(rows, axis=0))
    return jnp.stack(mats).astype(_BF16)



def _enc_body(xp_ref, wg_ref, b_ref, o_ref):
    H, W, Cout = o_ref.shape[1], o_ref.shape[2], o_ref.shape[3]
    C4 = xp_ref.shape[3]
    acc = jnp.zeros((H * W, Cout), _F32)
    for g in range(4):
        gi, gj = g // 2, g % 2
        xs = xp_ref[0, gi:gi + H, gj:gj + W, :].reshape(H * W, C4)
        acc = acc + jnp.dot(xs, wg_ref[g], preferred_element_type=_F32)
    acc = acc + b_ref[0]
    o_ref[0] = jnp.maximum(acc, 0.0).astype(_BF16).reshape(H, W, Cout)


def _enc_conv(xgp, wg, b, H, W, Cout):
    B = xgp.shape[0]
    C4 = xgp.shape[3]
    return pl.pallas_call(
        _enc_body,
        grid=(B,),
        in_specs=[
            pl.BlockSpec((1, H + 1, W + 1, C4), lambda n: (n, 0, 0, 0)),
            pl.BlockSpec((4, C4, Cout), lambda n: (0, 0, 0)),
            pl.BlockSpec((1, Cout), lambda n: (0, 0)),
        ],
        out_specs=pl.BlockSpec((1, H, W, Cout), lambda n: (n, 0, 0, 0)),
        out_shape=jax.ShapeDtypeStruct((B, H, W, Cout), _BF16),
    )(xgp, wg, b.reshape(1, Cout))



def _vq_body(h_ref, w3_ref, b3_ref, emb_ref, idx_ref):
    h = h_ref[0]
    z = jnp.dot(h, w3_ref[...], preferred_element_type=_F32) + b3_ref[0]
    e = emb_ref[...]
    sim = jnp.dot(z.astype(_BF16), e, preferred_element_type=_F32)
    ef = e.astype(_F32)
    e2 = jnp.sum(ef * ef, axis=0)
    dist = e2[None, :] - 2.0 * sim
    m = jnp.min(dist, axis=1, keepdims=True)
    iota = lax.broadcasted_iota(jnp.int32, dist.shape, 1)
    idx = jnp.min(jnp.where(dist <= m, iota, jnp.int32(_K)), axis=1)
    idx_ref[0] = idx.reshape(8, 392)


def _vq_quantize(h2, w3, b3, emb):
    B = h2.shape[0]
    return pl.pallas_call(
        _vq_body,
        grid=(B,),
        in_specs=[
            pl.BlockSpec((1, 3136, _LATENT), lambda n: (n, 0, 0)),
            pl.BlockSpec((_LATENT, _LATENT), lambda n: (0, 0)),
            pl.BlockSpec((1, _LATENT), lambda n: (0, 0)),
            pl.BlockSpec((_LATENT, _K), lambda n: (0, 0)),
        ],
        out_specs=pl.BlockSpec((1, 8, 392), lambda n: (n, 0, 0)),
        out_shape=jax.ShapeDtypeStruct((B, 8, 392), jnp.int32),
    )(h2, w3.astype(_BF16), b3.reshape(1, _LATENT), emb.astype(_BF16))



def _sc_gather(table, idx):
    B, D = idx.shape[0], table.shape[1]
    DP = 128
    table_p = jnp.pad(table, ((0, 0), (0, DP - D)))
    info = plsc.get_sparse_core_info()
    NC, NS = info.num_cores, info.num_subcores
    NW = NC * NS
    b_per_w = B // NW
    mesh = plsc.VectorSubcoreMesh(core_axis_name="c", subcore_axis_name="s")

    @functools.partial(
        pl.kernel, mesh=mesh,
        out_type=jax.ShapeDtypeStruct((B, DP), _F32),
        scratch_types=[
            pltpu.VMEM((b_per_w,), jnp.int32),
            pltpu.VMEM((b_per_w, DP), _F32),
            pltpu.VMEM_SHARED((_K, DP), _F32),
            pltpu.SemaphoreType.DMA,
        ],
    )
    def k(table_hbm, idx_hbm, out_hbm, idx_v, rows_v, tab_s, sem):
        wid = lax.axis_index("s") * NC + lax.axis_index("c")
        base = wid * b_per_w
        @pl.when(lax.axis_index("s") == 0)
        def _():
            pltpu.sync_copy(table_hbm, tab_s)
        pltpu.sync_copy(idx_hbm.at[pl.ds(base, b_per_w)], idx_v)
        plsc.subcore_barrier()
        ch = 112
        cps = [
            pltpu.async_copy(tab_s.at[idx_v.at[pl.ds(k * ch, ch)]],
                             rows_v.at[pl.ds(k * ch, ch)], sem)
            for k in range(b_per_w // ch)
        ]
        for cp in cps:
            cp.wait()
        pltpu.sync_copy(rows_v, out_hbm.at[pl.ds(base, b_per_w)])

    return k(table_p, idx)[:, :D]



def _dect_body(xp_ref, w_ref, b_ref, o_ref):
    H, W, Cout = o_ref.shape[3], o_ref.shape[4], o_ref.shape[5]
    Cin = xp_ref.shape[3]
    xm = xp_ref[0, 0:H, 0:W, :].reshape(H * W, Cin)
    xm0 = xp_ref[0, 0:H, 1:W + 1, :].reshape(H * W, Cin)
    x0m = xp_ref[0, 1:H + 1, 0:W, :].reshape(H * W, Cin)
    x00 = xp_ref[0, 1:H + 1, 1:W + 1, :].reshape(H * W, Cin)
    b = b_ref[0]

    def mm(a, wa):
        return jnp.dot(a, wa, preferred_element_type=_F32)

    def act(v):
        v = v + b
        return jnp.where(v >= 0, v, 0.3 * v).astype(_BF16).reshape(H, W, Cout)

    o_ref[0, 0, 0] = act(mm(xm, w_ref[0, 0]) + mm(xm0, w_ref[0, 2])
                         + mm(x0m, w_ref[2, 0]) + mm(x00, w_ref[2, 2]))
    o_ref[0, 0, 1] = act(mm(xm0, w_ref[0, 1]) + mm(x00, w_ref[2, 1]))
    o_ref[0, 1, 0] = act(mm(x0m, w_ref[1, 0]) + mm(x00, w_ref[1, 2]))
    o_ref[0, 1, 1] = act(mm(x00, w_ref[1, 1]))


def _dect_conv(xp, w, b, H, W, Cout):
    B = xp.shape[0]
    Cin = xp.shape[3]
    return pl.pallas_call(
        _dect_body,
        grid=(B,),
        in_specs=[
            pl.BlockSpec((1, H + 1, W + 1, Cin), lambda n: (n, 0, 0, 0)),
            pl.BlockSpec((3, 3, Cin, Cout), lambda n: (0, 0, 0, 0)),
            pl.BlockSpec((1, Cout), lambda n: (0, 0)),
        ],
        out_specs=pl.BlockSpec((1, 2, 2, H, W, Cout), lambda n: (n, 0, 0, 0, 0, 0)),
        out_shape=jax.ShapeDtypeStruct((B, 2, 2, H, W, Cout), _BF16),
    )(xp, w.astype(_BF16), b.reshape(1, Cout))



_T2 = {0: [(0, -1), (2, 0)], 1: [(1, 0)]}
_WIN2 = ((1, 0), (0, 1), (1, 1))


def _dec2_body(xp_ref, w_ref, b_ref, o_ref):
    Cin = xp_ref.shape[5]
    H = o_ref.shape[3]
    HW = H * H
    b = b_ref[0]
    wins = {}
    for (pu, su) in _WIN2:
        for (pv, sv) in _WIN2:
            wins[(pu, su, pv, sv)] = (
                xp_ref[0, pu, pv, su:su + H, sv:sv + H, :].reshape(HW, Cin))
    for e in range(2):
        for f in range(2):
            planes = []
            for ap in range(2):
                for bp in range(2):
                    acc = jnp.zeros((HW, 64), _F32)
                    for (r, du) in _T2[e]:
                        t = ap + du
                        pu, su = t % 2, (t - t % 2) // 2 + 1
                        for (c, dv) in _T2[f]:
                            s = bp + dv
                            pv, sv = s % 2, (s - s % 2) // 2 + 1
                            acc = acc + jnp.dot(wins[(pu, su, pv, sv)],
                                                w_ref[r, c],
                                                preferred_element_type=_F32)
                    v = acc + b
                    planes.append(jnp.where(v >= 0, v, 0.3 * v).astype(_BF16))
            o_ref[0, e, f] = jnp.concatenate(planes, axis=1).reshape(H, H, 256)


def _dec2_conv(xp, w, b):
    B = xp.shape[0]
    Cin = xp.shape[5]
    return pl.pallas_call(
        _dec2_body,
        grid=(B,),
        in_specs=[
            pl.BlockSpec((1, 2, 2, 57, 57, Cin), lambda n: (n, 0, 0, 0, 0, 0)),
            pl.BlockSpec((3, 3, Cin, 64), lambda n: (0, 0, 0, 0)),
            pl.BlockSpec((1, 64), lambda n: (0, 0)),
        ],
        out_specs=pl.BlockSpec((1, 2, 2, 56, 56, 256), lambda n: (n, 0, 0, 0, 0, 0)),
        out_shape=jax.ShapeDtypeStruct((B, 2, 2, 56, 56, 256), _BF16),
    )(xp, w.astype(_BF16), b.reshape(1, 64))



def _d3_axis_pairs():
    m = {}
    for g in (0, 1):
        for dlt in (-1, 0, 1):
            e = (g + dlt) % 2
            for ap in (0, 1):
                t = ap + (g + dlt - e) // 2
                a2 = t % 2
                su = (t - a2) // 2 + 1
                m.setdefault((e, su), []).append((g, ap, dlt, a2))
    return m


_D3_PAIRS = _d3_axis_pairs()


def _make_w3(w3):
    S = np.zeros((2, 2, 3, 3, 4, 16, 3, 3), np.float32)
    for (e, su), rows in _D3_PAIRS.items():
        for (f, sv), cols in _D3_PAIRS.items():
            for (g, ap, dlt, a2) in rows:
                for (h, bp, eps, b2) in cols:
                    col = g * 8 + h * 4 + ap * 2 + bp
                    S[e, f, su, sv, a2 * 2 + b2, col, dlt + 1, eps + 1] = 1.0
    W = jnp.einsum('efuvkpab,abc->efuvkcp', jnp.asarray(S), w3[:, :, :, 0])
    return W.reshape(2, 2, 3, 3, 256, 16).astype(_BF16)


def _dec3_body(xp_ref, w_ref, b_ref, o_ref):
    H = 56
    HW = H * H
    acc = jnp.zeros((HW, 16), _F32)
    for (e, su) in _D3_PAIRS:
        for (f, sv) in _D3_PAIRS:
            win = xp_ref[0, e, f, su:su + H, sv:sv + H, :].reshape(HW, 256)
            acc = acc + jnp.dot(win, w_ref[e, f, su, sv],
                                preferred_element_type=_F32)
    v = acc + b_ref[0]
    o_ref[0] = jax.nn.sigmoid(v).reshape(H, H, 16)


def _dec3_conv(xp, w16, b):
    B = xp.shape[0]
    return pl.pallas_call(
        _dec3_body,
        grid=(B,),
        in_specs=[
            pl.BlockSpec((1, 2, 2, 58, 58, 256), lambda n: (n, 0, 0, 0, 0, 0)),
            pl.BlockSpec((2, 2, 3, 3, 256, 16), lambda n: (0, 0, 0, 0, 0, 0)),
            pl.BlockSpec((1, 1), lambda n: (0, 0)),
        ],
        out_specs=pl.BlockSpec((1, 56, 56, 16), lambda n: (n, 0, 0, 0)),
        out_shape=jax.ShapeDtypeStruct((B, 56, 56, 16), _F32),
    )(xp, w16, b.reshape(1, 1))



def kernel(x, params):
    p = params
    B = x.shape[0]

    wg1 = _make_wg(p['enc_w1'])
    wg2 = _make_wg(p['enc_w2'])
    w3 = p['enc_w3'].reshape(_LATENT, _LATENT)
    bn_s1 = p['bn1_g'] * (1.0 / jnp.sqrt(1.0 + _BN_EPS))
    w_d1 = p['dec_w1'] * bn_s1
    b_d1 = p['dec_b1'] * bn_s1 + p['bn1_b']
    bn_s2 = p['bn2_g'] * (1.0 / jnp.sqrt(1.0 + _BN_EPS))
    w_d2 = p['dec_w2'] * bn_s2
    b_d2 = p['dec_b2'] * bn_s2 + p['bn2_b']
    w_d3 = _make_w3(p['dec_w3'])

    xg = _s2d(x.astype(_BF16))
    xgp = jnp.pad(xg, ((0, 0), (0, 1), (0, 1), (0, 0)))
    h1 = _enc_conv(xgp, wg1, p['enc_b1'], 112, 112, 32)
    h1g = jnp.pad(_s2d(h1), ((0, 0), (0, 1), (0, 1), (0, 0)))
    h2 = _enc_conv(h1g, wg2, p['enc_b2'], 56, 56, 64)

    idx = _vq_quantize(h2.reshape(B, 3136, _LATENT), w3, p['enc_b3'], p['emb'])
    q = _sc_gather(p['emb'].T, idx.reshape(B * 3136))
    q = q.astype(_BF16).reshape(B, 56, 56, _LATENT)

    qp = jnp.pad(q, ((0, 0), (1, 0), (1, 0), (0, 0)))
    d1 = _dect_conv(qp, w_d1, b_d1, 56, 56, 128)
    d1p = jnp.pad(d1, ((0, 0), (0, 0), (0, 0), (1, 0), (1, 0), (0, 0)))
    d2 = _dec2_conv(d1p, w_d2, b_d2)
    d2p = jnp.pad(d2, ((0, 0), (0, 0), (0, 0), (1, 1), (1, 1), (0, 0)))
    o = _dec3_conv(d2p, w_d3, p['dec_b3'])
    o = o.reshape(B, 56, 56, 2, 2, 2, 2)
    out = o.transpose(0, 1, 5, 3, 2, 6, 4).reshape(B, 224, 224, 1)
    return out

# --- scband reference (transcript-rebuilt; emitter-appended) ---
"""Pipeline reference for scband-vqvae-51367808860452 (READ-ONLY COPY).

The authoritative reference and input builder live on the scoring server;
editing this copy changes nothing except your own understanding.
"""

import jax, jax.numpy as jnp
import numpy as np

LATENT_DIM = 64
NUM_EMB = 1024
BN_EPS = 1e-3


def conv(x, w, b, stride):
    y = jax.lax.conv_general_dilated(x, w, (stride, stride), 'SAME',
                                     dimension_numbers=('NHWC', 'HWIO', 'NHWC'))
    return y + b


def convT(x, w, b, stride):
    y = jax.lax.conv_transpose(x, w, (stride, stride), 'SAME',
                               dimension_numbers=('NHWC', 'HWIO', 'NHWC'))
    return y + b


def bn_inference(x, gamma, beta):
    # Keras BatchNormalization at inference with freshly-initialized moving stats:
    # moving_mean = 0, moving_var = 1, epsilon = 1e-3
    return gamma * (x / jnp.sqrt(1.0 + BN_EPS)) + beta


def leaky_relu(x):
    return jnp.where(x >= 0, x, 0.3 * x)  # keras LeakyReLU default alpha=0.3


def setup_inputs(seed: int = 0) -> dict:
    key = jax.random.key(seed)
    ks = jax.random.split(key, 16)

    def u(k, shape, scale=0.05):
        return jax.random.uniform(k, shape, jnp.float32, -scale, scale)

    params = {
        # encoder: Conv2D(32,3,s2) -> Conv2D(64,3,s2) -> Conv2D(latent_dim,1)
        'enc_w1': u(ks[0], (3, 3, 1, 32)), 'enc_b1': jnp.zeros((32,), jnp.float32),
        'enc_w2': u(ks[1], (3, 3, 32, 64)), 'enc_b2': jnp.zeros((64,), jnp.float32),
        'enc_w3': u(ks[2], (1, 1, 64, LATENT_DIM)), 'enc_b3': jnp.zeros((LATENT_DIM,), jnp.float32),
        # VQ codebook: shape (embedding_dim, num_embeddings) as in the TF code
        'emb': u(ks[3], (LATENT_DIM, NUM_EMB)),
        # decoder: ConvT(128,3,s2)+BN+LReLU -> ConvT(64,3,s2)+BN+LReLU -> ConvT(1,3,s1,sigmoid)
        'dec_w1': u(ks[4], (3, 3, LATENT_DIM, 128)), 'dec_b1': jnp.zeros((128,), jnp.float32),
        'bn1_g': jnp.ones((128,), jnp.float32), 'bn1_b': jnp.zeros((128,), jnp.float32),
        'dec_w2': u(ks[5], (3, 3, 128, 64)), 'dec_b2': jnp.zeros((64,), jnp.float32),
        'bn2_g': jnp.ones((64,), jnp.float32), 'bn2_b': jnp.zeros((64,), jnp.float32),
        'dec_w3': u(ks[6], (3, 3, 64, 1)), 'dec_b3': jnp.zeros((1,), jnp.float32),
    }
    x = jax.random.uniform(ks[15], (8, 224, 224, 1), jnp.float32)
    return {'x': x, 'params': params}


def reference(x, params):
    p = params
    # encoder
    h = jax.nn.relu(conv(x, p['enc_w1'], p['enc_b1'], 2))
    h = jax.nn.relu(conv(h, p['enc_w2'], p['enc_b2'], 2))
    z = conv(h, p['enc_w3'], p['enc_b3'], 1)  # [B, 56, 56, D]
    # vector quantizer
    emb = p['emb']  # [D, K]
    flat = z.reshape(-1, LATENT_DIM)
    similarity = flat @ emb
    distances = (jnp.sum(flat ** 2, axis=1, keepdims=True)
                 + jnp.sum(emb ** 2, axis=0)
                 - 2.0 * similarity)
    encoding_indices = jnp.argmin(distances, axis=1)
    quantized = jnp.take(emb.T, encoding_indices, axis=0).reshape(z.shape)
    # straight-through estimator
    quantized = z + jax.lax.stop_gradient(quantized - z)
    # decoder
    d = leaky_relu(bn_inference(convT(quantized, p['dec_w1'], p['dec_b1'], 2), p['bn1_g'], p['bn1_b']))
    d = leaky_relu(bn_inference(convT(d, p['dec_w2'], p['dec_b2'], 2), p['bn2_g'], p['bn2_b']))
    out = jax.nn.sigmoid(convT(d, p['dec_w3'], p['dec_b3'], 1))
    return out

if __name__ == "__main__":
    import jax
    _d = setup_inputs()
    print(jax.jit(kernel)(*tuple(_d.values())))

</pallas_src>

<mosaic_0001>
#map = affine_map<(d0, d1) -> (0, 0)>
#map1 = affine_map<(d0, d1) -> (0)>
module attributes {stable_mosaic.version = 14 : i64} {
  func.func @k(%arg0: i32, %arg1: i32, %arg2: memref<1024x128xf32, #tpu.memory_space<hbm>>, %arg3: memref<25088xi32, #tpu.memory_space<hbm>>, %arg4: memref<25088x128xf32, #tpu.memory_space<hbm>>, %arg5: memref<784xi32, #tpu.memory_space<vmem>>, %arg6: memref<784x128xf32, #tpu.memory_space<vmem>>, %arg7: memref<1024x128xf32, #tpu.memory_space<vmem_shared>>, %arg8: memref<!tpu.dma_semaphore, #tpu.memory_space<semaphore_mem>>) attributes {dimension_semantics = [#tpu.dimension_semantics<core_parallel>, #tpu.dimension_semantics<subcore_parallel>], iteration_bounds = array<i64: 2, 16>, scalar_prefetch = 0 : i64, scratch_operands = 4 : i64, tpu.core_type = #tpu.core_type<sc_vector_subcore>, window_params = [{transform_indices = #map}, {transform_indices = #map1}, {transform_indices = #map}]} {
    %mul3A = arith.constant 2 : i32
    %mul3A_0 = arith.muli %arg1, %mul3A : i32
    %add3A = arith.addi %mul3A_0, %arg0 : i32
    %mul3A_1 = arith.constant 784 : i32
    %mul3A_2 = arith.muli %add3A, %mul3A_1 : i32
    %eq3A = arith.constant 0 : i32
    %eq3A_3 = arith.cmpi eq, %arg1, %eq3A : i32
    %convert_element_type3A = arith.extui %eq3A_3 : i1 to i32
    %cond3A = arith.constant 0 : i32
    %cond3A_4 = arith.cmpi ne, %convert_element_type3A, %cond3A : i32
    scf.if %cond3A_4 {
      "tpu.region"() ({
        %run_scoped3A = tpu.sem_alloc : memref<!tpu.dma_semaphore, #tpu.memory_space<semaphore_mem>>
        tpu.enqueue_dma source(%arg2 : memref<1024x128xf32, #tpu.memory_space<hbm>>) target(%arg7 : memref<1024x128xf32, #tpu.memory_space<vmem_shared>>) target_semaphore(%run_scoped3A : memref<!tpu.dma_semaphore, #tpu.memory_space<semaphore_mem>>)
        tpu.wait_dma2 semaphore(%run_scoped3A : memref<!tpu.dma_semaphore, #tpu.memory_space<semaphore_mem>>) src(%arg2 : memref<1024x128xf32, #tpu.memory_space<hbm>>) dst(%arg7 : memref<1024x128xf32, #tpu.memory_space<vmem_shared>>)
        tpu.yield
      }) : () -> ()
    } else {
    }
    "tpu.region"() ({
      %run_scoped3A = tpu.sem_alloc : memref<!tpu.dma_semaphore, #tpu.memory_space<semaphore_mem>>
      %dma_start3A_115 = tpu.memref_slice %arg3[%mul3A_2] : memref<25088xi32, #tpu.memory_space<hbm>> -> memref<784xi32, #tpu.memory_space<hbm>>
      %dma_start3A_116 = tpu.memref_slice %arg3[%mul3A_2] : memref<25088xi32, #tpu.memory_space<hbm>> -> memref<784xi32, #tpu.memory_space<hbm>>
      tpu.enqueue_dma source(%dma_start3A_116 : memref<784xi32, #tpu.memory_space<hbm>>) target(%arg5 : memref<784xi32, #tpu.memory_space<vmem>>) target_semaphore(%run_scoped3A : memref<!tpu.dma_semaphore, #tpu.memory_space<semaphore_mem>>)
      %dma_wait3A_117 = tpu.memref_slice %arg3[%mul3A_2] : memref<25088xi32, #tpu.memory_space<hbm>> -> memref<784xi32, #tpu.memory_space<hbm>>
      %dma_wait3A_118 = tpu.memref_slice %arg3[%mul3A_2] : memref<25088xi32, #tpu.memory_space<hbm>> -> memref<784xi32, #tpu.memory_space<hbm>>
      tpu.wait_dma2 semaphore(%run_scoped3A : memref<!tpu.dma_semaphore, #tpu.memory_space<semaphore_mem>>) src(%dma_wait3A_118 : memref<784xi32, #tpu.memory_space<hbm>>) dst(%arg5 : memref<784xi32, #tpu.memory_space<vmem>>)
      tpu.yield
    }) : () -> ()
    %barrier3A = arith.constant 0 : index
    tpu.barrier barrier_id(%barrier3A)
    %dma_start3A = arith.constant 0 : i32
    %dma_start3A_5 = arith.constant 0 : i32
    %dma_start3A_6 = tpu.memref_slice %arg6[%dma_start3A, %dma_start3A_5] : memref<784x128xf32, #tpu.memory_space<vmem>> -> memref<112x128xf32, #tpu.memory_space<vmem>>
    %dma_start3A_7 = arith.constant 0 : i32
    %dma_start3A_8 = tpu.memref_slice %arg5[%dma_start3A_7] : memref<784xi32, #tpu.memory_space<vmem>> -> memref<112xi32, #tpu.memory_space<vmem>>
    %dma_start3A_9 = arith.constant 0 : i32
    %dma_start3A_10 = arith.constant 0 : i32
    %dma_start3A_11 = tpu.memref_slice %arg7[%dma_start3A_9, %dma_start3A_10] : memref<1024x128xf32, #tpu.memory_space<vmem_shared>> -> memref<1024x128xf32, #tpu.memory_space<vmem_shared>>
    tpu.enqueue_indirect_dma source(%dma_start3A_11 : memref<1024x128xf32, #tpu.memory_space<vmem_shared>>) target(%dma_start3A_6 : memref<112x128xf32, #tpu.memory_space<vmem>>) offsets(%dma_start3A_8 : memref<112xi32, #tpu.memory_space<vmem>>) semaphore(%arg8 : memref<!tpu.dma_semaphore, #tpu.memory_space<semaphore_mem>>)
    %dma_start3A_12 = arith.constant 112 : i32
    %dma_start3A_13 = arith.constant 0 : i32
    %dma_start3A_14 = tpu.memref_slice %arg6[%dma_start3A_12, %dma_start3A_13] : memref<784x128xf32, #tpu.memory_space<vmem>> -> memref<112x128xf32, #tpu.memory_space<vmem>>
    %dma_start3A_15 = arith.constant 112 : i32
    %dma_start3A_16 = tpu.memref_slice %arg5[%dma_start3A_15] : memref<784xi32, #tpu.memory_space<vmem>> -> memref<112xi32, #tpu.memory_space<vmem>>
    %dma_start3A_17 = arith.constant 0 : i32
    %dma_start3A_18 = arith.constant 0 : i32
    %dma_start3A_19 = tpu.memref_slice %arg7[%dma_start3A_17, %dma_start3A_18] : memref<1024x128xf32, #tpu.memory_space<vmem_shared>> -> memref<1024x128xf32, #tpu.memory_space<vmem_shared>>
    tpu.enqueue_indirect_dma source(%dma_start3A_19 : memref<1024x128xf32, #tpu.memory_space<vmem_shared>>) target(%dma_start3A_14 : memref<112x128xf32, #tpu.memory_space<vmem>>) offsets(%dma_start3A_16 : memref<112xi32, #tpu.memory_space<vmem>>) semaphore(%arg8 : memref<!tpu.dma_semaphore, #tpu.memory_space<semaphore_mem>>)
    %dma_start3A_20 = arith.constant 224 : i32
    %dma_start3A_21 = arith.constant 0 : i32
    %dma_start3A_22 = tpu.memref_slice %arg6[%dma_start3A_20, %dma_start3A_21] : memref<784x128xf32, #tpu.memory_space<vmem>> -> memref<112x128xf32, #tpu.memory_space<vmem>>
    %dma_start3A_23 = arith.constant 224 : i32
    %dma_start3A_24 = tpu.memref_slice %arg5[%dma_start3A_23] : memref<784xi32, #tpu.memory_space<vmem>> -> memref<112xi32, #tpu.memory_space<vmem>>
    %dma_start3A_25 = arith.constant 0 : i32
    %dma_start3A_26 = arith.constant 0 : i32
    %dma_start3A_27 = tpu.memref_slice %arg7[%dma_start3A_25, %dma_start3A_26] : memref<1024x128xf32, #tpu.memory_space<vmem_shared>> -> memref<1024x128xf32, #tpu.memory_space<vmem_shared>>
    tpu.enqueue_indirect_dma source(%dma_start3A_27 : memref<1024x128xf32, #tpu.memory_space<vmem_shared>>) target(%dma_start3A_22 : memref<112x128xf32, #tpu.memory_space<vmem>>) offsets(%dma_start3A_24 : memref<112xi32, #tpu.memory_space<vmem>>) semaphore(%arg8 : memref<!tpu.dma_semaphore, #tpu.memory_space<semaphore_mem>>)
    %dma_start3A_28 = arith.constant 336 : i32
    %dma_start3A_29 = arith.constant 0 : i32
    %dma_start3A_30 = tpu.memref_slice %arg6[%dma_start3A_28, %dma_start3A_29] : memref<784x128xf32, #tpu.memory_space<vmem>> -> memref<112x128xf32, #tpu.memory_space<vmem>>
    %dma_start3A_31 = arith.constant 336 : i32
    %dma_start3A_32 = tpu.memref_slice %arg5[%dma_start3A_31] : memref<784xi32, #tpu.memory_space<vmem>> -> memref<112xi32, #tpu.memory_space<vmem>>
    %dma_start3A_33 = arith.constant 0 : i32
    %dma_start3A_34 = arith.constant 0 : i32
    %dma_start3A_35 = tpu.memref_slice %arg7[%dma_start3A_33, %dma_start3A_34] : memref<1024x128xf32, #tpu.memory_space<vmem_shared>> -> memref<1024x128xf32, #tpu.memory_space<vmem_shared>>
    tpu.enqueue_indirect_dma source(%dma_start3A_35 : memref<1024x128xf32, #tpu.memory_space<vmem_shared>>) target(%dma_start3A_30 : memref<112x128xf32, #tpu.memory_space<vmem>>) offsets(%dma_start3A_32 : memref<112xi32, #tpu.memory_space<vmem>>) semaphore(%arg8 : memref<!tpu.dma_semaphore, #tpu.memory_space<semaphore_mem>>)
    %dma_start3A_36 = arith.constant 448 : i32
    %dma_start3A_37 = arith.constant 0 : i32
    %dma_start3A_38 = tpu.memref_slice %arg6[%dma_start3A_36, %dma_start3A_37] : memref<784x128xf32, #tpu.memory_space<vmem>> -> memref<112x128xf32, #tpu.memory_space<vmem>>
    %dma_start3A_39 = arith.constant 448 : i32
    %dma_start3A_40 = tpu.memref_slice %arg5[%dma_start3A_39] : memref<784xi32, #tpu.memory_space<vmem>> -> memref<112xi32, #tpu.memory_space<vmem>>
    %dma_start3A_41 = arith.constant 0 : i32
    %dma_start3A_42 = arith.constant 0 : i32
    %dma_start3A_43 = tpu.memref_slice %arg7[%dma_start3A_41, %dma_start3A_42] : memref<1024x128xf32, #tpu.memory_space<vmem_shared>> -> memref<1024x128xf32, #tpu.memory_space<vmem_shared>>
    tpu.enqueue_indirect_dma source(%dma_start3A_43 : memref<1024x128xf32, #tpu.memory_space<vmem_shared>>) target(%dma_start3A_38 : memref<112x128xf32, #tpu.memory_space<vmem>>) offsets(%dma_start3A_40 : memref<112xi32, #tpu.memory_space<vmem>>) semaphore(%arg8 : memref<!tpu.dma_semaphore, #tpu.memory_space<semaphore_mem>>)
    %dma_start3A_44 = arith.constant 560 : i32
    %dma_start3A_45 = arith.constant 0 : i32
    %dma_start3A_46 = tpu.memref_slice %arg6[%dma_start3A_44, %dma_start3A_45] : memref<784x128xf32, #tpu.memory_space<vmem>> -> memref<112x128xf32, #tpu.memory_space<vmem>>
    %dma_start3A_47 = arith.constant 560 : i32
    %dma_start3A_48 = tpu.memref_slice %arg5[%dma_start3A_47] : memref<784xi32, #tpu.memory_space<vmem>> -> memref<112xi32, #tpu.memory_space<vmem>>
    %dma_start3A_49 = arith.constant 0 : i32
    %dma_start3A_50 = arith.constant 0 : i32
    %dma_start3A_51 = tpu.memref_slice %arg7[%dma_start3A_49, %dma_start3A_50] : memref<1024x128xf32, #tpu.memory_space<vmem_shared>> -> memref<1024x128xf32, #tpu.memory_space<vmem_shared>>
    tpu.enqueue_indirect_dma source(%dma_start3A_51 : memref<1024x128xf32, #tpu.memory_space<vmem_shared>>) target(%dma_start3A_46 : memref<112x128xf32, #tpu.memory_space<vmem>>) offsets(%dma_start3A_48 : memref<112xi32, #tpu.memory_space<vmem>>) semaphore(%arg8 : memref<!tpu.dma_semaphore, #tpu.memory_space<semaphore_mem>>)
    %dma_start3A_52 = arith.constant 672 : i32
    %dma_start3A_53 = arith.constant 0 : i32
    %dma_start3A_54 = tpu.memref_slice %arg6[%dma_start3A_52, %dma_start3A_53] : memref<784x128xf32, #tpu.memory_space<vmem>> -> memref<112x128xf32, #tpu.memory_space<vmem>>
    %dma_start3A_55 = arith.constant 672 : i32
    %dma_start3A_56 = tpu.memref_slice %arg5[%dma_start3A_55] : memref<784xi32, #tpu.memory_space<vmem>> -> memref<112xi32, #tpu.memory_space<vmem>>
    %dma_start3A_57 = arith.constant 0 : i32
    %dma_start3A_58 = arith.constant 0 : i32
    %dma_start3A_59 = tpu.memref_slice %arg7[%dma_start3A_57, %dma_start3A_58] : memref<1024x128xf32, #tpu.memory_space<vmem_shared>> -> memref<1024x128xf32, #tpu.memory_space<vmem_shared>>
    tpu.enqueue_indirect_dma source(%dma_start3A_59 : memref<1024x128xf32, #tpu.memory_space<vmem_shared>>) target(%dma_start3A_54 : memref<112x128xf32, #tpu.memory_space<vmem>>) offsets(%dma_start3A_56 : memref<112xi32, #tpu.memory_space<vmem>>) semaphore(%arg8 : memref<!tpu.dma_semaphore, #tpu.memory_space<semaphore_mem>>)
    %dma_wait3A = arith.constant 0 : i32
    %dma_wait3A_60 = arith.constant 0 : i32
    %dma_wait3A_61 = tpu.memref_slice %arg6[%dma_wait3A, %dma_wait3A_60] : memref<784x128xf32, #tpu.memory_space<vmem>> -> memref<112x128xf32, #tpu.memory_space<vmem>>
    %dma_wait3A_62 = arith.constant 0 : i32
    %dma_wait3A_63 = tpu.memref_slice %arg5[%dma_wait3A_62] : memref<784xi32, #tpu.memory_space<vmem>> -> memref<112xi32, #tpu.memory_space<vmem>>
    %dma_wait3A_64 = arith.constant 0 : i32
    %dma_wait3A_65 = arith.constant 0 : i32
    %dma_wait3A_66 = tpu.memref_slice %arg7[%dma_wait3A_64, %dma_wait3A_65] : memref<1024x128xf32, #tpu.memory_space<vmem_shared>> -> memref<1024x128xf32, #tpu.memory_space<vmem_shared>>
    tpu.wait_indirect_dma semaphore(%arg8 : memref<!tpu.dma_semaphore, #tpu.memory_space<semaphore_mem>>) src(%dma_wait3A_66 : memref<1024x128xf32, #tpu.memory_space<vmem_shared>>) dst(%dma_wait3A_61 : memref<112x128xf32, #tpu.memory_space<vmem>>)
    %dma_wait3A_67 = arith.constant 112 : i32
    %dma_wait3A_68 = arith.constant 0 : i32
    %dma_wait3A_69 = tpu.memref_slice %arg6[%dma_wait3A_67, %dma_wait3A_68] : memref<784x128xf32, #tpu.memory_space<vmem>> -> memref<112x128xf32, #tpu.memory_space<vmem>>
    %dma_wait3A_70 = arith.constant 112 : i32
    %dma_wait3A_71 = tpu.memref_slice %arg5[%dma_wait3A_70] : memref<784xi32, #tpu.memory_space<vmem>> -> memref<112xi32, #tpu.memory_space<vmem>>
    %dma_wait3A_72 = arith.constant 0 : i32
    %dma_wait3A_73 = arith.constant 0 : i32
    %dma_wait3A_74 = tpu.memref_slice %arg7[%dma_wait3A_72, %dma_wait3A_73] : memref<1024x128xf32, #tpu.memory_space<vmem_shared>> -> memref<1024x128xf32, #tpu.memory_space<vmem_shared>>
    tpu.wait_indirect_dma semaphore(%arg8 : memref<!tpu.dma_semaphore, #tpu.memory_space<semaphore_mem>>) src(%dma_wait3A_74 : memref<1024x128xf32, #tpu.memory_space<vmem_shared>>) dst(%dma_wait3A_69 : memref<112x128xf32, #tpu.memory_space<vmem>>)
    %dma_wait3A_75 = arith.constant 224 : i32
    %dma_wait3A_76 = arith.constant 0 : i32
    %dma_wait3A_77 = tpu.memref_slice %arg6[%dma_wait3A_75, %dma_wait3A_76] : memref<784x128xf32, #tpu.memory_space<vmem>> -> memref<112x128xf32, #tpu.memory_space<vmem>>
    %dma_wait3A_78 = arith.constant 224 : i32
    %dma_wait3A_79 = tpu.memref_slice %arg5[%dma_wait3A_78] : memref<784xi32, #tpu.memory_space<vmem>> -> memref<112xi32, #tpu.memory_space<vmem>>
    %dma_wait3A_80 = arith.constant 0 : i32
    %dma_wait3A_81 = arith.constant 0 : i32
    %dma_wait3A_82 = tpu.memref_slice %arg7[%dma_wait3A_80, %dma_wait3A_81] : memref<1024x128xf32, #tpu.memory_space<vmem_shared>> -> memref<1024x128xf32, #tpu.memory_space<vmem_shared>>
    tpu.wait_indirect_dma semaphore(%arg8 : memref<!tpu.dma_semaphore, #tpu.memory_space<semaphore_mem>>) src(%dma_wait3A_82 : memref<1024x128xf32, #tpu.memory_space<vmem_shared>>) dst(%dma_wait3A_77 : memref<112x128xf32, #tpu.memory_space<vmem>>)
    %dma_wait3A_83 = arith.constant 336 : i32
    %dma_wait3A_84 = arith.constant 0 : i32
    %dma_wait3A_85 = tpu.memref_slice %arg6[%dma_wait3A_83, %dma_wait3A_84] : memref<784x128xf32, #tpu.memory_space<vmem>> -> memref<112x128xf32, #tpu.memory_space<vmem>>
    %dma_wait3A_86 = arith.constant 336 : i32
    %dma_wait3A_87 = tpu.memref_slice %arg5[%dma_wait3A_86] : memref<784xi32, #tpu.memory_space<vmem>> -> memref<112xi32, #tpu.memory_space<vmem>>
    %dma_wait3A_88 = arith.constant 0 : i32
    %dma_wait3A_89 = arith.constant 0 : i32
    %dma_wait3A_90 = tpu.memref_slice %arg7[%dma_wait3A_88, %dma_wait3A_89] : memref<1024x128xf32, #tpu.memory_space<vmem_shared>> -> memref<1024x128xf32, #tpu.memory_space<vmem_shared>>
    tpu.wait_indirect_dma semaphore(%arg8 : memref<!tpu.dma_semaphore, #tpu.memory_space<semaphore_mem>>) src(%dma_wait3A_90 : memref<1024x128xf32, #tpu.memory_space<vmem_shared>>) dst(%dma_wait3A_85 : memref<112x128xf32, #tpu.memory_space<vmem>>)
    %dma_wait3A_91 = arith.constant 448 : i32
    %dma_wait3A_92 = arith.constant 0 : i32
    %dma_wait3A_93 = tpu.memref_slice %arg6[%dma_wait3A_91, %dma_wait3A_92] : memref<784x128xf32, #tpu.memory_space<vmem>> -> memref<112x128xf32, #tpu.memory_space<vmem>>
    %dma_wait3A_94 = arith.constant 448 : i32
    %dma_wait3A_95 = tpu.memref_slice %arg5[%dma_wait3A_94] : memref<784xi32, #tpu.memory_space<vmem>> -> memref<112xi32, #tpu.memory_space<vmem>>
    %dma_wait3A_96 = arith.constant 0 : i32
    %dma_wait3A_97 = arith.constant 0 : i32
    %dma_wait3A_98 = tpu.memref_slice %arg7[%dma_wait3A_96, %dma_wait3A_97] : memref<1024x128xf32, #tpu.memory_space<vmem_shared>> -> memref<1024x128xf32, #tpu.memory_space<vmem_shared>>
    tpu.wait_indirect_dma semaphore(%arg8 : memref<!tpu.dma_semaphore, #tpu.memory_space<semaphore_mem>>) src(%dma_wait3A_98 : memref<1024x128xf32, #tpu.memory_space<vmem_shared>>) dst(%dma_wait3A_93 : memref<112x128xf32, #tpu.memory_space<vmem>>)
    %dma_wait3A_99 = arith.constant 560 : i32
    %dma_wait3A_100 = arith.constant 0 : i32
    %dma_wait3A_101 = tpu.memref_slice %arg6[%dma_wait3A_99, %dma_wait3A_100] : memref<784x128xf32, #tpu.memory_space<vmem>> -> memref<112x128xf32, #tpu.memory_space<vmem>>
    %dma_wait3A_102 = arith.constant 560 : i32
    %dma_wait3A_103 = tpu.memref_slice %arg5[%dma_wait3A_102] : memref<784xi32, #tpu.memory_space<vmem>> -> memref<112xi32, #tpu.memory_space<vmem>>
    %dma_wait3A_104 = arith.constant 0 : i32
    %dma_wait3A_105 = arith.constant 0 : i32
    %dma_wait3A_106 = tpu.memref_slice %arg7[%dma_wait3A_104, %dma_wait3A_105] : memref<1024x128xf32, #tpu.memory_space<vmem_shared>> -> memref<1024x128xf32, #tpu.memory_space<vmem_shared>>
    tpu.wait_indirect_dma semaphore(%arg8 : memref<!tpu.dma_semaphore, #tpu.memory_space<semaphore_mem>>) src(%dma_wait3A_106 : memref<1024x128xf32, #tpu.memory_space<vmem_shared>>) dst(%dma_wait3A_101 : memref<112x128xf32, #tpu.memory_space<vmem>>)
    %dma_wait3A_107 = arith.constant 672 : i32
    %dma_wait3A_108 = arith.constant 0 : i32
    %dma_wait3A_109 = tpu.memref_slice %arg6[%dma_wait3A_107, %dma_wait3A_108] : memref<784x128xf32, #tpu.memory_space<vmem>> -> memref<112x128xf32, #tpu.memory_space<vmem>>
    %dma_wait3A_110 = arith.constant 672 : i32
    %dma_wait3A_111 = tpu.memref_slice %arg5[%dma_wait3A_110] : memref<784xi32, #tpu.memory_space<vmem>> -> memref<112xi32, #tpu.memory_space<vmem>>
    %dma_wait3A_112 = arith.constant 0 : i32
    %dma_wait3A_113 = arith.constant 0 : i32
    %dma_wait3A_114 = tpu.memref_slice %arg7[%dma_wait3A_112, %dma_wait3A_113] : memref<1024x128xf32, #tpu.memory_space<vmem_shared>> -> memref<1024x128xf32, #tpu.memory_space<vmem_shared>>
    tpu.wait_indirect_dma semaphore(%arg8 : memref<!tpu.dma_semaphore, #tpu.memory_space<semaphore_mem>>) src(%dma_wait3A_114 : memref<1024x128xf32, #tpu.memory_space<vmem_shared>>) dst(%dma_wait3A_109 : memref<112x128xf32, #tpu.memory_space<vmem>>)
    "tpu.region"() ({
      %run_scoped3A = tpu.sem_alloc : memref<!tpu.dma_semaphore, #tpu.memory_space<semaphore_mem>>
      %dma_start3A_115 = arith.constant 0 : i32
      %dma_start3A_116 = tpu.memref_slice %arg4[%mul3A_2, %dma_start3A_115] : memref<25088x128xf32, #tpu.memory_space<hbm>> -> memref<784x128xf32, #tpu.memory_space<hbm>>
      %dma_start3A_117 = arith.constant 0 : i32
      %dma_start3A_118 = tpu.memref_slice %arg4[%mul3A_2, %dma_start3A_117] : memref<25088x128xf32, #tpu.memory_space<hbm>> -> memref<784x128xf32, #tpu.memory_space<hbm>>
      tpu.enqueue_dma source(%arg6 : memref<784x128xf32, #tpu.memory_space<vmem>>) target(%dma_start3A_118 : memref<784x128xf32, #tpu.memory_space<hbm>>) target_semaphore(%run_scoped3A : memref<!tpu.dma_semaphore, #tpu.memory_space<semaphore_mem>>)
      %dma_wait3A_119 = arith.constant 0 : i32
      %dma_wait3A_120 = tpu.memref_slice %arg4[%mul3A_2, %dma_wait3A_119] : memref<25088x128xf32, #tpu.memory_space<hbm>> -> memref<784x128xf32, #tpu.memory_space<hbm>>
      %dma_wait3A_121 = arith.constant 0 : i32
      %dma_wait3A_122 = tpu.memref_slice %arg4[%mul3A_2, %dma_wait3A_121] : memref<25088x128xf32, #tpu.memory_space<hbm>> -> memref<784x128xf32, #tpu.memory_space<hbm>>
      tpu.wait_dma2 semaphore(%run_scoped3A : memref<!tpu.dma_semaphore, #tpu.memory_space<semaphore_mem>>) src(%arg6 : memref<784x128xf32, #tpu.memory_space<vmem>>) dst(%dma_wait3A_122 : memref<784x128xf32, #tpu.memory_space<hbm>>)
      tpu.yield
    }) : () -> ()
    return
  }
}

module attributes {stable_mosaic.version = 14 : i64} {
  func.func @_enc_body(%arg0: i32, %arg1: memref<1x113x113x4xbf16, #tpu.memory_space<vmem>>, %arg2: memref<4x4x32xbf16, #tpu.memory_space<vmem>>, %arg3: memref<1x32xf32, #tpu.memory_space<vmem>>, %arg4: memref<1x112x112x32xbf16, #tpu.memory_space<vmem>>) attributes {dimension_semantics = [#tpu.dimension_semantics<arbitrary>], iteration_bounds = array<i64: 8>, scalar_prefetch = 0 : i64, scratch_operands = 0 : i64, tpu.core_type = #tpu.core_type<tc>, window_params = [{transform_indices = @transform_0, window_bounds = array<i64: 1, 113, 113, 4>}, {pipeline_mode = #tpu.pipeline_mode<synchronous>, transform_indices = @transform_1, window_bounds = array<i64: 4, 4, 32>}, {pipeline_mode = #tpu.pipeline_mode<synchronous>, transform_indices = @transform_2, window_bounds = array<i64: 1, 32>}, {transform_indices = @transform_3, window_bounds = array<i64: 1, 112, 112, 32>}]} {
    %broadcast_in_dim3A = arith.constant 0.000000e+00 : f32
    %broadcast_in_dim3A_0 = vector.broadcast %broadcast_in_dim3A : f32 to vector<12544x32xf32>
    %get3A = arith.constant 0 : index
    %get3A_1 = arith.constant 0 : index
    %get3A_2 = arith.constant 0 : index
    %get3A_3 = arith.constant 0 : index
    %get3A_4 = vector.load %arg1[%get3A, %get3A_1, %get3A_2, %get3A_3] : memref<1x113x113x4xbf16, #tpu.memory_space<vmem>>, vector<1x112x112x4xbf16>
    %get3A_5 = vector.shape_cast %get3A_4 : vector<1x112x112x4xbf16> to vector<112x112x4xbf16>
    %reshape3A = vector.shape_cast %get3A_5 : vector<112x112x4xbf16> to vector<12544x4xbf16>
    %get3A_6 = arith.constant 0 : index
    %get3A_7 = arith.constant 0 : index
    %get3A_8 = arith.constant 0 : index
    %get3A_9 = vector.load %arg2[%get3A_6, %get3A_7, %get3A_8] : memref<4x4x32xbf16, #tpu.memory_space<vmem>>, vector<1x4x32xbf16>
    %get3A_10 = vector.shape_cast %get3A_9 : vector<1x4x32xbf16> to vector<4x32xbf16>
    %dot_general3A = arith.constant dense<0.000000e+00> : vector<12544x32xf32>
    %dot_general3A_11 = tpu.matmul %reshape3A, %get3A_10, %dot_general3A {dimension_numbers = #tpu.dot_dimension_numbers<[1], [0], [0], [1], [0, 0, 1, 1], [], []>, transpose_lhs_hint = false} : vector<12544x4xbf16>, vector<4x32xbf16>, vector<12544x32xf32> -> vector<12544x32xf32>
    %add3A = arith.addf %broadcast_in_dim3A_0, %dot_general3A_11 : vector<12544x32xf32>
    %get3A_12 = arith.constant 0 : index
    %get3A_13 = arith.constant 0 : index
    %get3A_14 = arith.constant 1 : index
    %get3A_15 = arith.constant 0 : index
    %get3A_16 = vector.load %arg1[%get3A_12, %get3A_13, %get3A_14, %get3A_15] : memref<1x113x113x4xbf16, #tpu.memory_space<vmem>>, vector<1x112x112x4xbf16>
    %get3A_17 = vector.shape_cast %get3A_16 : vector<1x112x112x4xbf16> to vector<112x112x4xbf16>
    %reshape3A_18 = vector.shape_cast %get3A_17 : vector<112x112x4xbf16> to vector<12544x4xbf16>
    %get3A_19 = arith.constant 1 : index
    %get3A_20 = arith.constant 0 : index
    %get3A_21 = arith.constant 0 : index
    %get3A_22 = vector.load %arg2[%get3A_19, %get3A_20, %get3A_21] : memref<4x4x32xbf16, #tpu.memory_space<vmem>>, vector<1x4x32xbf16>
    %get3A_23 = vector.shape_cast %get3A_22 : vector<1x4x32xbf16> to vector<4x32xbf16>
    %dot_general3A_24 = arith.constant dense<0.000000e+00> : vector<12544x32xf32>
    %dot_general3A_25 = tpu.matmul %reshape3A_18, %get3A_23, %dot_general3A_24 {dimension_numbers = #tpu.dot_dimension_numbers<[1], [0], [0], [1], [0, 0, 1, 1], [], []>, transpose_lhs_hint = false} : vector<12544x4xbf16>, vector<4x32xbf16>, vector<12544x32xf32> -> vector<12544x32xf32>
    %add3A_26 = arith.addf %add3A, %dot_general3A_25 : vector<12544x32xf32>
    %get3A_27 = arith.constant 0 : index
    %get3A_28 = arith.constant 1 : index
    %get3A_29 = arith.constant 0 : index
    %get3A_30 = arith.constant 0 : index
    %get3A_31 = vector.load %arg1[%get3A_27, %get3A_28, %get3A_29, %get3A_30] : memref<1x113x113x4xbf16, #tpu.memory_space<vmem>>, vector<1x112x112x4xbf16>
    %get3A_32 = vector.shape_cast %get3A_31 : vector<1x112x112x4xbf16> to vector<112x112x4xbf16>
    %reshape3A_33 = vector.shape_cast %get3A_32 : vector<112x112x4xbf16> to vector<12544x4xbf16>
    %get3A_34 = arith.constant 2 : index
    %get3A_35 = arith.constant 0 : index
    %get3A_36 = arith.constant 0 : index
    %get3A_37 = vector.load %arg2[%get3A_34, %get3A_35, %get3A_36] : memref<4x4x32xbf16, #tpu.memory_space<vmem>>, vector<1x4x32xbf16>
    %get3A_38 = vector.shape_cast %get3A_37 : vector<1x4x32xbf16> to vector<4x32xbf16>
    %dot_general3A_39 = arith.constant dense<0.000000e+00> : vector<12544x32xf32>
    %dot_general3A_40 = tpu.matmul %reshape3A_33, %get3A_38, %dot_general3A_39 {dimension_numbers = #tpu.dot_dimension_numbers<[1], [0], [0], [1], [0, 0, 1, 1], [], []>, transpose_lhs_hint = false} : vector<12544x4xbf16>, vector<4x32xbf16>, vector<12544x32xf32> -> vector<12544x32xf32>
    %add3A_41 = arith.addf %add3A_26, %dot_general3A_40 : vector<12544x32xf32>
    %get3A_42 = arith.constant 0 : index
    %get3A_43 = arith.constant 1 : index
    %get3A_44 = arith.constant 1 : index
    %get3A_45 = arith.constant 0 : index
    %get3A_46 = vector.load %arg1[%get3A_42, %get3A_43, %get3A_44, %get3A_45] : memref<1x113x113x4xbf16, #tpu.memory_space<vmem>>, vector<1x112x112x4xbf16>
    %get3A_47 = vector.shape_cast %get3A_46 : vector<1x112x112x4xbf16> to vector<112x112x4xbf16>
    %reshape3A_48 = vector.shape_cast %get3A_47 : vector<112x112x4xbf16> to vector<12544x4xbf16>
    %get3A_49 = arith.constant 3 : index
    %get3A_50 = arith.constant 0 : index
    %get3A_51 = arith.constant 0 : index
    %get3A_52 = vector.load %arg2[%get3A_49, %get3A_50, %get3A_51] : memref<4x4x32xbf16, #tpu.memory_space<vmem>>, vector<1x4x32xbf16>
    %get3A_53 = vector.shape_cast %get3A_52 : vector<1x4x32xbf16> to vector<4x32xbf16>
    %dot_general3A_54 = arith.constant dense<0.000000e+00> : vector<12544x32xf32>
    %dot_general3A_55 = tpu.matmul %reshape3A_48, %get3A_53, %dot_general3A_54 {dimension_numbers = #tpu.dot_dimension_numbers<[1], [0], [0], [1], [0, 0, 1, 1], [], []>, transpose_lhs_hint = false} : vector<12544x4xbf16>, vector<4x32xbf16>, vector<12544x32xf32> -> vector<12544x32xf32>
    %add3A_56 = arith.addf %add3A_41, %dot_general3A_55 : vector<12544x32xf32>
    %get3A_57 = arith.constant 0 : index
    %get3A_58 = arith.constant 0 : index
    %get3A_59 = vector.load %arg3[%get3A_57, %get3A_58] : memref<1x32xf32, #tpu.memory_space<vmem>>, vector<1x32xf32>
    %get3A_60 = vector.shape_cast %get3A_59 : vector<1x32xf32> to vector<32xf32>
    %broadcast_in_dim3A_61 = vector.shape_cast %get3A_60 : vector<32xf32> to vector<1x32xf32>
    %add3A_62 = vector.broadcast %broadcast_in_dim3A_61 : vector<1x32xf32> to vector<12544x32xf32>
    %add3A_63 = arith.addf %add3A_56, %add3A_62 : vector<12544x32xf32>
    %max3A = arith.constant 0.000000e+00 : f32
    %max3A_64 = vector.broadcast %max3A : f32 to vector<12544x32xf32>
    %max3A_65 = arith.maximumf %add3A_63, %max3A_64 : vector<12544x32xf32>
    %convert_element_type3A = arith.truncf %max3A_65 : vector<12544x32xf32> to vector<12544x32xbf16>
    %reshape3A_66 = vector.shape_cast %convert_element_type3A : vector<12544x32xbf16> to vector<112x112x32xbf16>
    %swap3A = arith.constant 0 : index
    %swap3A_67 = arith.constant 0 : index
    %swap3A_68 = arith.constant 0 : index
    %swap3A_69 = arith.constant 0 : index
    %swap3A_70 = vector.load %arg4[%swap3A, %swap3A_67, %swap3A_68, %swap3A_69] : memref<1x112x112x32xbf16, #tpu.memory_space<vmem>>, vector<1x112x112x32xbf16>
    %swap3A_71 = vector.shape_cast %swap3A_70 : vector<1x112x112x32xbf16> to vector<112x112x32xbf16>
    %swap3A_72 = vector.shape_cast %reshape3A_66 : vector<112x112x32xbf16> to vector<1x112x112x32xbf16>
    tpu.vector_store %arg4[%swap3A, %swap3A_67, %swap3A_68, %swap3A_69], %swap3A_72 {strides = array<i32>} : memref<1x112x112x32xbf16, #tpu.memory_space<vmem>>, vector<1x112x112x32xbf16>,
    return
  }
  func.func @transform_0(%arg0: i32) -> (i32, i32, i32, i32) {
    %c0_i32 = arith.constant 0 : i32
    %c0_i32_0 = arith.constant 0 : i32
    %c0_i32_1 = arith.constant 0 : i32
    %c0_i32_2 = arith.constant 0 : i32
    return %arg0, %c0_i32, %c0_i32_0, %c0_i32_1 : i32, i32, i32, i32
  }
  func.func @transform_1(%arg0: i32) -> (i32, i32, i32) {
    %c0_i32 = arith.constant 0 : i32
    %c0_i32_0 = arith.constant 0 : i32
    %c0_i32_1 = arith.constant 0 : i32
    %c0_i32_2 = arith.constant 0 : i32
    return %c0_i32, %c0_i32_0, %c0_i32_1 : i32, i32, i32
  }
  func.func @transform_2(%arg0: i32) -> (i32, i32) {
    %c0_i32 = arith.constant 0 : i32
    %c0_i32_0 = arith.constant 0 : i32
    %c0_i32_1 = arith.constant 0 : i32
    return %c0_i32, %c0_i32_0 : i32, i32
  }
  func.func @transform_3(%arg0: i32) -> (i32, i32, i32, i32) {
    %c0_i32 = arith.constant 0 : i32
    %c0_i32_0 = arith.constant 0 : i32
    %c0_i32_1 = arith.constant 0 : i32
    %c0_i32_2 = arith.constant 0 : i32
    return %arg0, %c0_i32, %c0_i32_0, %c0_i32_1 : i32, i32, i32, i32
  }
}

module attributes {stable_mosaic.version = 14 : i64} {
  func.func @_enc_body(%arg0: i32, %arg1: memref<1x57x57x128xbf16, #tpu.memory_space<vmem>>, %arg2: memref<4x128x64xbf16, #tpu.memory_space<vmem>>, %arg3: memref<1x64xf32, #tpu.memory_space<vmem>>, %arg4: memref<1x56x56x64xbf16, #tpu.memory_space<vmem>>) attributes {dimension_semantics = [#tpu.dimension_semantics<arbitrary>], iteration_bounds = array<i64: 8>, scalar_prefetch = 0 : i64, scratch_operands = 0 : i64, tpu.core_type = #tpu.core_type<tc>, window_params = [{transform_indices = @transform_0, window_bounds = array<i64: 1, 57, 57, 128>}, {pipeline_mode = #tpu.pipeline_mode<synchronous>, transform_indices = @transform_1, window_bounds = array<i64: 4, 128, 64>}, {pipeline_mode = #tpu.pipeline_mode<synchronous>, transform_indices = @transform_2, window_bounds = array<i64: 1, 64>}, {transform_indices = @transform_3, window_bounds = array<i64: 1, 56, 56, 64>}]} {
    %broadcast_in_dim3A = arith.constant 0.000000e+00 : f32
    %broadcast_in_dim3A_0 = vector.broadcast %broadcast_in_dim3A : f32 to vector<3136x64xf32>
    %get3A = arith.constant 0 : index
    %get3A_1 = arith.constant 0 : index
    %get3A_2 = arith.constant 0 : index
    %get3A_3 = arith.constant 0 : index
    %get3A_4 = vector.load %arg1[%get3A, %get3A_1, %get3A_2, %get3A_3] : memref<1x57x57x128xbf16, #tpu.memory_space<vmem>>, vector<1x56x56x128xbf16>
    %get3A_5 = vector.shape_cast %get3A_4 : vector<1x56x56x128xbf16> to vector<56x56x128xbf16>
    %reshape3A = vector.shape_cast %get3A_5 : vector<56x56x128xbf16> to vector<3136x128xbf16>
    %get3A_6 = arith.constant 0 : index
    %get3A_7 = arith.constant 0 : index
    %get3A_8 = arith.constant 0 : index
    %get3A_9 = vector.load %arg2[%get3A_6, %get3A_7, %get3A_8] : memref<4x128x64xbf16, #tpu.memory_space<vmem>>, vector<1x128x64xbf16>
    %get3A_10 = vector.shape_cast %get3A_9 : vector<1x128x64xbf16> to vector<128x64xbf16>
    %dot_general3A = arith.constant dense<0.000000e+00> : vector<3136x64xf32>
    %dot_general3A_11 = tpu.matmul %reshape3A, %get3A_10, %dot_general3A {dimension_numbers = #tpu.dot_dimension_numbers<[1], [0], [0], [1], [0, 0, 1, 1], [], []>, transpose_lhs_hint = false} : vector<3136x128xbf16>, vector<128x64xbf16>, vector<3136x64xf32> -> vector<3136x64xf32>
    %add3A = arith.addf %broadcast_in_dim3A_0, %dot_general3A_11 : vector<3136x64xf32>
    %get3A_12 = arith.constant 0 : index
    %get3A_13 = arith.constant 0 : index
    %get3A_14 = arith.constant 1 : index
    %get3A_15 = arith.constant 0 : index
    %get3A_16 = vector.load %arg1[%get3A_12, %get3A_13, %get3A_14, %get3A_15] : memref<1x57x57x128xbf16, #tpu.memory_space<vmem>>, vector<1x56x56x128xbf16>
    %get3A_17 = vector.shape_cast %get3A_16 : vector<1x56x56x128xbf16> to vector<56x56x128xbf16>
    %reshape3A_18 = vector.shape_cast %get3A_17 : vector<56x56x128xbf16> to vector<3136x128xbf16>
    %get3A_19 = arith.constant 1 : index
    %get3A_20 = arith.constant 0 : index
    %get3A_21 = arith.constant 0 : index
    %get3A_22 = vector.load %arg2[%get3A_19, %get3A_20, %get3A_21] : memref<4x128x64xbf16, #tpu.memory_space<vmem>>, vector<1x128x64xbf16>
    %get3A_23 = vector.shape_cast %get3A_22 : vector<1x128x64xbf16> to vector<128x64xbf16>
    %dot_general3A_24 = arith.constant dense<0.000000e+00> : vector<3136x64xf32>
    %dot_general3A_25 = tpu.matmul %reshape3A_18, %get3A_23, %dot_general3A_24 {dimension_numbers = #tpu.dot_dimension_numbers<[1], [0], [0], [1], [0, 0, 1, 1], [], []>, transpose_lhs_hint = false} : vector<3136x128xbf16>, vector<128x64xbf16>, vector<3136x64xf32> -> vector<3136x64xf32>
    %add3A_26 = arith.addf %add3A, %dot_general3A_25 : vector<3136x64xf32>
    %get3A_27 = arith.constant 0 : index
    %get3A_28 = arith.constant 1 : index
    %get3A_29 = arith.constant 0 : index
    %get3A_30 = arith.constant 0 : index
    %get3A_31 = vector.load %arg1[%get3A_27, %get3A_28, %get3A_29, %get3A_30] : memref<1x57x57x128xbf16, #tpu.memory_space<vmem>>, vector<1x56x56x128xbf16>
    %get3A_32 = vector.shape_cast %get3A_31 : vector<1x56x56x128xbf16> to vector<56x56x128xbf16>
    %reshape3A_33 = vector.shape_cast %get3A_32 : vector<56x56x128xbf16> to vector<3136x128xbf16>
    %get3A_34 = arith.constant 2 : index
    %get3A_35 = arith.constant 0 : index
    %get3A_36 = arith.constant 0 : index
    %get3A_37 = vector.load %arg2[%get3A_34, %get3A_35, %get3A_36] : memref<4x128x64xbf16, #tpu.memory_space<vmem>>, vector<1x128x64xbf16>
    %get3A_38 = vector.shape_cast %get3A_37 : vector<1x128x64xbf16> to vector<128x64xbf16>
    %dot_general3A_39 = arith.constant dense<0.000000e+00> : vector<3136x64xf32>
    %dot_general3A_40 = tpu.matmul %reshape3A_33, %get3A_38, %dot_general3A_39 {dimension_numbers = #tpu.dot_dimension_numbers<[1], [0], [0], [1], [0, 0, 1, 1], [], []>, transpose_lhs_hint = false} : vector<3136x128xbf16>, vector<128x64xbf16>, vector<3136x64xf32> -> vector<3136x64xf32>
    %add3A_41 = arith.addf %add3A_26, %dot_general3A_40 : vector<3136x64xf32>
    %get3A_42 = arith.constant 0 : index
    %get3A_43 = arith.constant 1 : index
    %get3A_44 = arith.constant 1 : index
    %get3A_45 = arith.constant 0 : index
    %get3A_46 = vector.load %arg1[%get3A_42, %get3A_43, %get3A_44, %get3A_45] : memref<1x57x57x128xbf16, #tpu.memory_space<vmem>>, vector<1x56x56x128xbf16>
    %get3A_47 = vector.shape_cast %get3A_46 : vector<1x56x56x128xbf16> to vector<56x56x128xbf16>
    %reshape3A_48 = vector.shape_cast %get3A_47 : vector<56x56x128xbf16> to vector<3136x128xbf16>
    %get3A_49 = arith.constant 3 : index
    %get3A_50 = arith.constant 0 : index
    %get3A_51 = arith.constant 0 : index
    %get3A_52 = vector.load %arg2[%get3A_49, %get3A_50, %get3A_51] : memref<4x128x64xbf16, #tpu.memory_space<vmem>>, vector<1x128x64xbf16>
    %get3A_53 = vector.shape_cast %get3A_52 : vector<1x128x64xbf16> to vector<128x64xbf16>
    %dot_general3A_54 = arith.constant dense<0.000000e+00> : vector<3136x64xf32>
    %dot_general3A_55 = tpu.matmul %reshape3A_48, %get3A_53, %dot_general3A_54 {dimension_numbers = #tpu.dot_dimension_numbers<[1], [0], [0], [1], [0, 0, 1, 1], [], []>, transpose_lhs_hint = false} : vector<3136x128xbf16>, vector<128x64xbf16>, vector<3136x64xf32> -> vector<3136x64xf32>
    %add3A_56 = arith.addf %add3A_41, %dot_general3A_55 : vector<3136x64xf32>
    %get3A_57 = arith.constant 0 : index
    %get3A_58 = arith.constant 0 : index
    %get3A_59 = vector.load %arg3[%get3A_57, %get3A_58] : memref<1x64xf32, #tpu.memory_space<vmem>>, vector<1x64xf32>
    %get3A_60 = vector.shape_cast %get3A_59 : vector<1x64xf32> to vector<64xf32>
    %broadcast_in_dim3A_61 = vector.shape_cast %get3A_60 : vector<64xf32> to vector<1x64xf32>
    %add3A_62 = vector.broadcast %broadcast_in_dim3A_61 : vector<1x64xf32> to vector<3136x64xf32>
    %add3A_63 = arith.addf %add3A_56, %add3A_62 : vector<3136x64xf32>
    %max3A = arith.constant 0.000000e+00 : f32
    %max3A_64 = vector.broadcast %max3A : f32 to vector<3136x64xf32>
    %max3A_65 = arith.maximumf %add3A_63, %max3A_64 : vector<3136x64xf32>
    %convert_element_type3A = arith.truncf %max3A_65 : vector<3136x64xf32> to vector<3136x64xbf16>
    %reshape3A_66 = vector.shape_cast %convert_element_type3A : vector<3136x64xbf16> to vector<56x56x64xbf16>
    %swap3A = arith.constant 0 : index
    %swap3A_67 = arith.constant 0 : index
    %swap3A_68 = arith.constant 0 : index
    %swap3A_69 = arith.constant 0 : index
    %swap3A_70 = vector.load %arg4[%swap3A, %swap3A_67, %swap3A_68, %swap3A_69] : memref<1x56x56x64xbf16, #tpu.memory_space<vmem>>, vector<1x56x56x64xbf16>
    %swap3A_71 = vector.shape_cast %swap3A_70 : vector<1x56x56x64xbf16> to vector<56x56x64xbf16>
    %swap3A_72 = vector.shape_cast %reshape3A_66 : vector<56x56x64xbf16> to vector<1x56x56x64xbf16>
    tpu.vector_store %arg4[%swap3A, %swap3A_67, %swap3A_68, %swap3A_69], %swap3A_72 {strides = array<i32>} : memref<1x56x56x64xbf16, #tpu.memory_space<vmem>>, vector<1x56x56x64xbf16>,
    return
  }
  func.func @transform_0(%arg0: i32) -> (i32, i32, i32, i32) {
    %c0_i32 = arith.constant 0 : i32
    %c0_i32_0 = arith.constant 0 : i32
    %c0_i32_1 = arith.constant 0 : i32
    %c0_i32_2 = arith.constant 0 : i32
    return %arg0, %c0_i32, %c0_i32_0, %c0_i32_1 : i32, i32, i32, i32
  }
  func.func @transform_1(%arg0: i32) -> (i32, i32, i32) {
    %c0_i32 = arith.constant 0 : i32
    %c0_i32_0 = arith.constant 0 : i32
    %c0_i32_1 = arith.constant 0 : i32
    %c0_i32_2 = arith.constant 0 : i32
    return %c0_i32, %c0_i32_0, %c0_i32_1 : i32, i32, i32
  }
  func.func @transform_2(%arg0: i32) -> (i32, i32) {
    %c0_i32 = arith.constant 0 : i32
    %c0_i32_0 = arith.constant 0 : i32
    %c0_i32_1 = arith.constant 0 : i32
    return %c0_i32, %c0_i32_0 : i32, i32
  }
  func.func @transform_3(%arg0: i32) -> (i32, i32, i32, i32) {
    %c0_i32 = arith.constant 0 : i32
    %c0_i32_0 = arith.constant 0 : i32
    %c0_i32_1 = arith.constant 0 : i32
    %c0_i32_2 = arith.constant 0 : i32
    return %arg0, %c0_i32, %c0_i32_0, %c0_i32_1 : i32, i32, i32, i32
  }
}

module attributes {stable_mosaic.version = 14 : i64} {
  func.func @_vq_body(%arg0: i32, %arg1: memref<1x3136x64xbf16, #tpu.memory_space<vmem>>, %arg2: memref<64x64xbf16, #tpu.memory_space<vmem>>, %arg3: memref<1x64xf32, #tpu.memory_space<vmem>>, %arg4: memref<64x1024xbf16, #tpu.memory_space<vmem>>, %arg5: memref<1x8x392xi32, #tpu.memory_space<vmem>>) attributes {dimension_semantics = [#tpu.dimension_semantics<arbitrary>], iteration_bounds = array<i64: 8>, scalar_prefetch = 0 : i64, scratch_operands = 0 : i64, tpu.core_type = #tpu.core_type<tc>, window_params = [{transform_indices = @transform_0, window_bounds = array<i64: 1, 3136, 64>}, {pipeline_mode = #tpu.pipeline_mode<synchronous>, transform_indices = @transform_1, window_bounds = array<i64: 64, 64>}, {pipeline_mode = #tpu.pipeline_mode<synchronous>, transform_indices = @transform_2, window_bounds = array<i64: 1, 64>}, {pipeline_mode = #tpu.pipeline_mode<synchronous>, transform_indices = @transform_3, window_bounds = array<i64: 64, 1024>}, {transform_indices = @transform_4, window_bounds = array<i64: 1, 8, 392>}]} {
    %get3A = arith.constant 0 : index
    %get3A_0 = arith.constant 0 : index
    %get3A_1 = arith.constant 0 : index
    %get3A_2 = vector.load %arg1[%get3A, %get3A_0, %get3A_1] : memref<1x3136x64xbf16, #tpu.memory_space<vmem>>, vector<1x3136x64xbf16>
    %get3A_3 = vector.shape_cast %get3A_2 : vector<1x3136x64xbf16> to vector<3136x64xbf16>
    %get3A_4 = arith.constant 0 : index
    %get3A_5 = arith.constant 0 : index
    %get3A_6 = vector.load %arg2[%get3A_4, %get3A_5] : memref<64x64xbf16, #tpu.memory_space<vmem>>, vector<64x64xbf16>
    %dot_general3A = arith.constant dense<0.000000e+00> : vector<3136x64xf32>
    %dot_general3A_7 = tpu.matmul %get3A_3, %get3A_6, %dot_general3A {dimension_numbers = #tpu.dot_dimension_numbers<[1], [0], [0], [1], [0, 0, 1, 1], [], []>, transpose_lhs_hint = false} : vector<3136x64xbf16>, vector<64x64xbf16>, vector<3136x64xf32> -> vector<3136x64xf32>
    %get3A_8 = arith.constant 0 : index
    %get3A_9 = arith.constant 0 : index
    %get3A_10 = vector.load %arg3[%get3A_8, %get3A_9] : memref<1x64xf32, #tpu.memory_space<vmem>>, vector<1x64xf32>
    %get3A_11 = vector.shape_cast %get3A_10 : vector<1x64xf32> to vector<64xf32>
    %broadcast_in_dim3A = vector.shape_cast %get3A_11 : vector<64xf32> to vector<1x64xf32>
    %add3A = vector.broadcast %broadcast_in_dim3A : vector<1x64xf32> to vector<3136x64xf32>
    %add3A_12 = arith.addf %dot_general3A_7, %add3A : vector<3136x64xf32>
    %get3A_13 = arith.constant 0 : index
    %get3A_14 = arith.constant 0 : index
    %get3A_15 = vector.load %arg4[%get3A_13, %get3A_14] : memref<64x1024xbf16, #tpu.memory_space<vmem>>, vector<64x1024xbf16>
    %convert_element_type3A = arith.truncf %add3A_12 : vector<3136x64xf32> to vector<3136x64xbf16>
    %dot_general3A_16 = arith.constant dense<0.000000e+00> : vector<3136x1024xf32>
    %dot_general3A_17 = tpu.matmul %convert_element_type3A, %get3A_15, %dot_general3A_16 {dimension_numbers = #tpu.dot_dimension_numbers<[1], [0], [0], [1], [0, 0, 1, 1], [], []>, transpose_lhs_hint = false} : vector<3136x64xbf16>, vector<64x1024xbf16>, vector<3136x1024xf32> -> vector<3136x1024xf32>
    %convert_element_type3A_18 = arith.extf %get3A_15 : vector<64x1024xbf16> to vector<64x1024xf32>
    %mul3A = arith.mulf %convert_element_type3A_18, %convert_element_type3A_18 : vector<64x1024xf32>
    %reduce_sum3A = arith.constant dense<0.000000e+00> : vector<1024xf32>
    %reduce_sum3A_19 = vector.multi_reduction <add>, %mul3A, %reduce_sum3A [0] : vector<64x1024xf32> to vector<1024xf32>
    %broadcast_in_dim3A_20 = vector.shape_cast %reduce_sum3A_19 : vector<1024xf32> to vector<1x1024xf32>
    %mul3A_21 = arith.constant 2.000000e+00 : f32
    %mul3A_22 = vector.broadcast %mul3A_21 : f32 to vector<3136x1024xf32>
    %mul3A_23 = arith.mulf %mul3A_22, %dot_general3A_17 : vector<3136x1024xf32>
    %sub3A = vector.broadcast %broadcast_in_dim3A_20 : vector<1x1024xf32> to vector<3136x1024xf32>
    %sub3A_24 = arith.subf %sub3A, %mul3A_23 : vector<3136x1024xf32>
    %reduce_min3A = arith.constant dense<0x7F800000> : vector<3136xf32>
    %reduce_min3A_25 = vector.multi_reduction <minimumf>, %sub3A_24, %reduce_min3A [1] : vector<3136x1024xf32> to vector<3136xf32>
    %broadcast_in_dim3A_26 = vector.shape_cast %reduce_min3A_25 : vector<3136xf32> to vector<3136x1xf32>
    %iota3A = tpu.iota {dimensions = array<i32: 1>} : vector<3136x1024xi32>
    %le3A = vector.broadcast %broadcast_in_dim3A_26 : vector<3136x1xf32> to vector<3136x1024xf32>
    %le3A_27 = arith.cmpf ole, %sub3A_24, %le3A : vector<3136x1024xf32>
    %jit3A = arith.constant 1024 : i32
    %broadcast_in_dim3A_28 = vector.broadcast %jit3A : i32 to vector<3136x1024xi32>
    %select_n3A = arith.select %le3A_27, %iota3A, %broadcast_in_dim3A_28 : vector<3136x1024xi1>, vector<3136x1024xi32>
    %reduce_min3A_29 = arith.constant dense<2147483647> : vector<3136xi32>
    %reduce_min3A_30 = vector.multi_reduction <minsi>, %select_n3A, %reduce_min3A_29 [1] : vector<3136x1024xi32> to vector<3136xi32>
    %reshape3A = vector.shape_cast %reduce_min3A_30 : vector<3136xi32> to vector<8x392xi32>
    %swap3A = arith.constant 0 : index
    %swap3A_31 = arith.constant 0 : index
    %swap3A_32 = arith.constant 0 : index
    %swap3A_33 = vector.load %arg5[%swap3A, %swap3A_31, %swap3A_32] : memref<1x8x392xi32, #tpu.memory_space<vmem>>, vector<1x8x392xi32>
    %swap3A_34 = vector.shape_cast %swap3A_33 : vector<1x8x392xi32> to vector<8x392xi32>
    %swap3A_35 = vector.shape_cast %reshape3A : vector<8x392xi32> to vector<1x8x392xi32>
    tpu.vector_store %arg5[%swap3A, %swap3A_31, %swap3A_32], %swap3A_35 {strides = array<i32>} : memref<1x8x392xi32, #tpu.memory_space<vmem>>, vector<1x8x392xi32>,
    return
  }
  func.func @transform_0(%arg0: i32) -> (i32, i32, i32) {
    %c0_i32 = arith.constant 0 : i32
    %c0_i32_0 = arith.constant 0 : i32
    %c0_i32_1 = arith.constant 0 : i32
    return %arg0, %c0_i32, %c0_i32_0 : i32, i32, i32
  }
  func.func @transform_1(%arg0: i32) -> (i32, i32) {
    %c0_i32 = arith.constant 0 : i32
    %c0_i32_0 = arith.constant 0 : i32
    %c0_i32_1 = arith.constant 0 : i32
    return %c0_i32, %c0_i32_0 : i32, i32
  }
  func.func @transform_2(%arg0: i32) -> (i32, i32) {
    %c0_i32 = arith.constant 0 : i32
    %c0_i32_0 = arith.constant 0 : i32
    %c0_i32_1 = arith.constant 0 : i32
    return %c0_i32, %c0_i32_0 : i32, i32
  }
  func.func @transform_3(%arg0: i32) -> (i32, i32) {
    %c0_i32 = arith.constant 0 : i32
    %c0_i32_0 = arith.constant 0 : i32
    %c0_i32_1 = arith.constant 0 : i32
    return %c0_i32, %c0_i32_0 : i32, i32
  }
  func.func @transform_4(%arg0: i32) -> (i32, i32, i32) {
    %c0_i32 = arith.constant 0 : i32
    %c0_i32_0 = arith.constant 0 : i32
    %c0_i32_1 = arith.constant 0 : i32
    return %arg0, %c0_i32, %c0_i32_0 : i32, i32, i32
  }
}

module attributes {stable_mosaic.version = 14 : i64} {
  func.func @_dect_body(%arg0: i32, %arg1: memref<1x57x57x64xbf16, #tpu.memory_space<vmem>>, %arg2: memref<3x3x64x128xbf16, #tpu.memory_space<vmem>>, %arg3: memref<1x128xf32, #tpu.memory_space<vmem>>, %arg4: memref<1x2x2x56x56x128xbf16, #tpu.memory_space<vmem>>) attributes {dimension_semantics = [#tpu.dimension_semantics<arbitrary>], iteration_bounds = array<i64: 8>, scalar_prefetch = 0 : i64, scratch_operands = 0 : i64, tpu.core_type = #tpu.core_type<tc>, window_params = [{transform_indices = @transform_0, window_bounds = array<i64: 1, 57, 57, 64>}, {pipeline_mode = #tpu.pipeline_mode<synchronous>, transform_indices = @transform_1, window_bounds = array<i64: 3, 3, 64, 128>}, {pipeline_mode = #tpu.pipeline_mode<synchronous>, transform_indices = @transform_2, window_bounds = array<i64: 1, 128>}, {transform_indices = @transform_3, window_bounds = array<i64: 1, 2, 2, 56, 56, 128>}]} {
    %get3A = arith.constant 0 : index
    %get3A_0 = arith.constant 0 : index
    %get3A_1 = arith.constant 0 : index
    %get3A_2 = arith.constant 0 : index
    %get3A_3 = vector.load %arg1[%get3A, %get3A_0, %get3A_1, %get3A_2] : memref<1x57x57x64xbf16, #tpu.memory_space<vmem>>, vector<1x56x56x64xbf16>
    %get3A_4 = vector.shape_cast %get3A_3 : vector<1x56x56x64xbf16> to vector<56x56x64xbf16>
    %reshape3A = vector.shape_cast %get3A_4 : vector<56x56x64xbf16> to vector<3136x64xbf16>
    %get3A_5 = arith.constant 0 : index
    %get3A_6 = arith.constant 0 : index
    %get3A_7 = arith.constant 1 : index
    %get3A_8 = arith.constant 0 : index
    %get3A_9 = vector.load %arg1[%get3A_5, %get3A_6, %get3A_7, %get3A_8] : memref<1x57x57x64xbf16, #tpu.memory_space<vmem>>, vector<1x56x56x64xbf16>
    %get3A_10 = vector.shape_cast %get3A_9 : vector<1x56x56x64xbf16> to vector<56x56x64xbf16>
    %reshape3A_11 = vector.shape_cast %get3A_10 : vector<56x56x64xbf16> to vector<3136x64xbf16>
    %get3A_12 = arith.constant 0 : index
    %get3A_13 = arith.constant 1 : index
    %get3A_14 = arith.constant 0 : index
    %get3A_15 = arith.constant 0 : index
    %get3A_16 = vector.load %arg1[%get3A_12, %get3A_13, %get3A_14, %get3A_15] : memref<1x57x57x64xbf16, #tpu.memory_space<vmem>>, vector<1x56x56x64xbf16>
    %get3A_17 = vector.shape_cast %get3A_16 : vector<1x56x56x64xbf16> to vector<56x56x64xbf16>
    %reshape3A_18 = vector.shape_cast %get3A_17 : vector<56x56x64xbf16> to vector<3136x64xbf16>
    %get3A_19 = arith.constant 0 : index
    %get3A_20 = arith.constant 1 : index
    %get3A_21 = arith.constant 1 : index
    %get3A_22 = arith.constant 0 : index
    %get3A_23 = vector.load %arg1[%get3A_19, %get3A_20, %get3A_21, %get3A_22] : memref<1x57x57x64xbf16, #tpu.memory_space<vmem>>, vector<1x56x56x64xbf16>
    %get3A_24 = vector.shape_cast %get3A_23 : vector<1x56x56x64xbf16> to vector<56x56x64xbf16>
    %reshape3A_25 = vector.shape_cast %get3A_24 : vector<56x56x64xbf16> to vector<3136x64xbf16>
    %get3A_26 = arith.constant 0 : index
    %get3A_27 = arith.constant 0 : index
    %get3A_28 = vector.load %arg3[%get3A_26, %get3A_27] : memref<1x128xf32, #tpu.memory_space<vmem>>, vector<1x128xf32>
    %get3A_29 = vector.shape_cast %get3A_28 : vector<1x128xf32> to vector<128xf32>
    %get3A_30 = arith.constant 0 : index
    %get3A_31 = arith.constant 0 : index
    %get3A_32 = arith.constant 0 : index
    %get3A_33 = arith.constant 0 : index
    %get3A_34 = vector.load %arg2[%get3A_30, %get3A_31, %get3A_32, %get3A_33] : memref<3x3x64x128xbf16, #tpu.memory_space<vmem>>, vector<1x1x64x128xbf16>
    %get3A_35 = vector.shape_cast %get3A_34 : vector<1x1x64x128xbf16> to vector<64x128xbf16>
    %dot_general3A = arith.constant dense<0.000000e+00> : vector<3136x128xf32>
    %dot_general3A_36 = tpu.matmul %reshape3A, %get3A_35, %dot_general3A {dimension_numbers = #tpu.dot_dimension_numbers<[1], [0], [0], [1], [0, 0, 1, 1], [], []>, transpose_lhs_hint = false} : vector<3136x64xbf16>, vector<64x128xbf16>, vector<3136x128xf32> -> vector<3136x128xf32>
    %get3A_37 = arith.constant 0 : index
    %get3A_38 = arith.constant 2 : index
    %get3A_39 = arith.constant 0 : index
    %get3A_40 = arith.constant 0 : index
    %get3A_41 = vector.load %arg2[%get3A_37, %get3A_38, %get3A_39, %get3A_40] : memref<3x3x64x128xbf16, #tpu.memory_space<vmem>>, vector<1x1x64x128xbf16>
    %get3A_42 = vector.shape_cast %get3A_41 : vector<1x1x64x128xbf16> to vector<64x128xbf16>
    %dot_general3A_43 = arith.constant dense<0.000000e+00> : vector<3136x128xf32>
    %dot_general3A_44 = tpu.matmul %reshape3A_11, %get3A_42, %dot_general3A_43 {dimension_numbers = #tpu.dot_dimension_numbers<[1], [0], [0], [1], [0, 0, 1, 1], [], []>, transpose_lhs_hint = false} : vector<3136x64xbf16>, vector<64x128xbf16>, vector<3136x128xf32> -> vector<3136x128xf32>
    %add3A = arith.addf %dot_general3A_36, %dot_general3A_44 : vector<3136x128xf32>
    %get3A_45 = arith.constant 2 : index
    %get3A_46 = arith.constant 0 : index
    %get3A_47 = arith.constant 0 : index
    %get3A_48 = arith.constant 0 : index
    %get3A_49 = vector.load %arg2[%get3A_45, %get3A_46, %get3A_47, %get3A_48] : memref<3x3x64x128xbf16, #tpu.memory_space<vmem>>, vector<1x1x64x128xbf16>
    %get3A_50 = vector.shape_cast %get3A_49 : vector<1x1x64x128xbf16> to vector<64x128xbf16>
    %dot_general3A_51 = arith.constant dense<0.000000e+00> : vector<3136x128xf32>
    %dot_general3A_52 = tpu.matmul %reshape3A_18, %get3A_50, %dot_general3A_51 {dimension_numbers = #tpu.dot_dimension_numbers<[1], [0], [0], [1], [0, 0, 1, 1], [], []>, transpose_lhs_hint = false} : vector<3136x64xbf16>, vector<64x128xbf16>, vector<3136x128xf32> -> vector<3136x128xf32>
    %add3A_53 = arith.addf %add3A, %dot_general3A_52 : vector<3136x128xf32>
    %get3A_54 = arith.constant 2 : index
    %get3A_55 = arith.constant 2 : index
    %get3A_56 = arith.constant 0 : index
    %get3A_57 = arith.constant 0 : index
    %get3A_58 = vector.load %arg2[%get3A_54, %get3A_55, %get3A_56, %get3A_57] : memref<3x3x64x128xbf16, #tpu.memory_space<vmem>>, vector<1x1x64x128xbf16>
    %get3A_59 = vector.shape_cast %get3A_58 : vector<1x1x64x128xbf16> to vector<64x128xbf16>
    %dot_general3A_60 = arith.constant dense<0.000000e+00> : vector<3136x128xf32>
    %dot_general3A_61 = tpu.matmul %reshape3A_25, %get3A_59, %dot_general3A_60 {dimension_numbers = #tpu.dot_dimension_numbers<[1], [0], [0], [1], [0, 0, 1, 1], [], []>, transpose_lhs_hint = false} : vector<3136x64xbf16>, vector<64x128xbf16>, vector<3136x128xf32> -> vector<3136x128xf32>
    %add3A_62 = arith.addf %add3A_53, %dot_general3A_61 : vector<3136x128xf32>
    %broadcast_in_dim3A = vector.shape_cast %get3A_29 : vector<128xf32> to vector<1x128xf32>
    %add3A_63 = vector.broadcast %broadcast_in_dim3A : vector<1x128xf32> to vector<3136x128xf32>
    %add3A_64 = arith.addf %add3A_62, %add3A_63 : vector<3136x128xf32>
    %ge3A = arith.constant 0.000000e+00 : f32
    %ge3A_65 = vector.broadcast %ge3A : f32 to vector<3136x128xf32>
    %ge3A_66 = arith.cmpf oge, %add3A_64, %ge3A_65 : vector<3136x128xf32>
    %mul3A = arith.constant 3.000000e-01 : f32
    %mul3A_67 = vector.broadcast %mul3A : f32 to vector<3136x128xf32>
    %mul3A_68 = arith.mulf %mul3A_67, %add3A_64 : vector<3136x128xf32>
    %select_n3A = arith.select %ge3A_66, %add3A_64, %mul3A_68 : vector<3136x128xi1>, vector<3136x128xf32>
    %convert_element_type3A = arith.truncf %select_n3A : vector<3136x128xf32> to vector<3136x128xbf16>
    %reshape3A_69 = vector.shape_cast %convert_element_type3A : vector<3136x128xbf16> to vector<56x56x128xbf16>
    %swap3A = arith.constant 0 : index
    %swap3A_70 = arith.constant 0 : index
    %swap3A_71 = arith.constant 0 : index
    %swap3A_72 = arith.constant 0 : index
    %swap3A_73 = arith.constant 0 : index
    %swap3A_74 = arith.constant 0 : index
    %swap3A_75 = vector.load %arg4[%swap3A, %swap3A_70, %swap3A_71, %swap3A_72, %swap3A_73, %swap3A_74] : memref<1x2x2x56x56x128xbf16, #tpu.memory_space<vmem>>, vector<1x1x1x56x56x128xbf16>
    %swap3A_76 = vector.shape_cast %swap3A_75 : vector<1x1x1x56x56x128xbf16> to vector<56x56x128xbf16>
    %swap3A_77 = vector.shape_cast %reshape3A_69 : vector<56x56x128xbf16> to vector<1x1x1x56x56x128xbf16>
    tpu.vector_store %arg4[%swap3A, %swap3A_70, %swap3A_71, %swap3A_72, %swap3A_73, %swap3A_74], %swap3A_77 {strides = array<i32>} : memref<1x2x2x56x56x128xbf16, #tpu.memory_space<vmem>>, vector<1x1x1x56x56x128xbf16>,
    %get3A_78 = arith.constant 0 : index
    %get3A_79 = arith.constant 1 : index
    %get3A_80 = arith.constant 0 : index
    %get3A_81 = arith.constant 0 : index
    %get3A_82 = vector.load %arg2[%get3A_78, %get3A_79, %get3A_80, %get3A_81] : memref<3x3x64x128xbf16, #tpu.memory_space<vmem>>, vector<1x1x64x128xbf16>
    %get3A_83 = vector.shape_cast %get3A_82 : vector<1x1x64x128xbf16> to vector<64x128xbf16>
    %dot_general3A_84 = arith.constant dense<0.000000e+00> : vector<3136x128xf32>
    %dot_general3A_85 = tpu.matmul %reshape3A_11, %get3A_83, %dot_general3A_84 {dimension_numbers = #tpu.dot_dimension_numbers<[1], [0], [0], [1], [0, 0, 1, 1], [], []>, transpose_lhs_hint = false} : vector<3136x64xbf16>, vector<64x128xbf16>, vector<3136x128xf32> -> vector<3136x128xf32>
    %get3A_86 = arith.constant 2 : index
    %get3A_87 = arith.constant 1 : index
    %get3A_88 = arith.constant 0 : index
    %get3A_89 = arith.constant 0 : index
    %get3A_90 = vector.load %arg2[%get3A_86, %get3A_87, %get3A_88, %get3A_89] : memref<3x3x64x128xbf16, #tpu.memory_space<vmem>>, vector<1x1x64x128xbf16>
    %get3A_91 = vector.shape_cast %get3A_90 : vector<1x1x64x128xbf16> to vector<64x128xbf16>
    %dot_general3A_92 = arith.constant dense<0.000000e+00> : vector<3136x128xf32>
    %dot_general3A_93 = tpu.matmul %reshape3A_25, %get3A_91, %dot_general3A_92 {dimension_numbers = #tpu.dot_dimension_numbers<[1], [0], [0], [1], [0, 0, 1, 1], [], []>, transpose_lhs_hint = false} : vector<3136x64xbf16>, vector<64x128xbf16>, vector<3136x128xf32> -> vector<3136x128xf32>
    %add3A_94 = arith.addf %dot_general3A_85, %dot_general3A_93 : vector<3136x128xf32>
    %broadcast_in_dim3A_95 = vector.shape_cast %get3A_29 : vector<128xf32> to vector<1x128xf32>
    %add3A_96 = vector.broadcast %broadcast_in_dim3A_95 : vector<1x128xf32> to vector<3136x128xf32>
    %add3A_97 = arith.addf %add3A_94, %add3A_96 : vector<3136x128xf32>
    %ge3A_98 = arith.constant 0.000000e+00 : f32
    %ge3A_99 = vector.broadcast %ge3A_98 : f32 to vector<3136x128xf32>
    %ge3A_100 = arith.cmpf oge, %add3A_97, %ge3A_99 : vector<3136x128xf32>
    %mul3A_101 = arith.constant 3.000000e-01 : f32
    %mul3A_102 = vector.broadcast %mul3A_101 : f32 to vector<3136x128xf32>
    %mul3A_103 = arith.mulf %mul3A_102, %add3A_97 : vector<3136x128xf32>
    %select_n3A_104 = arith.select %ge3A_100, %add3A_97, %mul3A_103 : vector<3136x128xi1>, vector<3136x128xf32>
    %convert_element_type3A_105 = arith.truncf %select_n3A_104 : vector<3136x128xf32> to vector<3136x128xbf16>
    %reshape3A_106 = vector.shape_cast %convert_element_type3A_105 : vector<3136x128xbf16> to vector<56x56x128xbf16>
    %swap3A_107 = arith.constant 0 : index
    %swap3A_108 = arith.constant 0 : index
    %swap3A_109 = arith.constant 1 : index
    %swap3A_110 = arith.constant 0 : index
    %swap3A_111 = arith.constant 0 : index
    %swap3A_112 = arith.constant 0 : index
    %swap3A_113 = vector.load %arg4[%swap3A_107, %swap3A_108, %swap3A_109, %swap3A_110, %swap3A_111, %swap3A_112] : memref<1x2x2x56x56x128xbf16, #tpu.memory_space<vmem>>, vector<1x1x1x56x56x128xbf16>
    %swap3A_114 = vector.shape_cast %swap3A_113 : vector<1x1x1x56x56x128xbf16> to vector<56x56x128xbf16>
    %swap3A_115 = vector.shape_cast %reshape3A_106 : vector<56x56x128xbf16> to vector<1x1x1x56x56x128xbf16>
    tpu.vector_store %arg4[%swap3A_107, %swap3A_108, %swap3A_109, %swap3A_110, %swap3A_111, %swap3A_112], %swap3A_115 {strides = array<i32>} : memref<1x2x2x56x56x128xbf16, #tpu.memory_space<vmem>>, vector<1x1x1x56x56x128xbf16>,
    %get3A_116 = arith.constant 1 : index
    %get3A_117 = arith.constant 0 : index
    %get3A_118 = arith.constant 0 : index
    %get3A_119 = arith.constant 0 : index
    %get3A_120 = vector.load %arg2[%get3A_116, %get3A_117, %get3A_118, %get3A_119] : memref<3x3x64x128xbf16, #tpu.memory_space<vmem>>, vector<1x1x64x128xbf16>
    %get3A_121 = vector.shape_cast %get3A_120 : vector<1x1x64x128xbf16> to vector<64x128xbf16>
    %dot_general3A_122 = arith.constant dense<0.000000e+00> : vector<3136x128xf32>
    %dot_general3A_123 = tpu.matmul %reshape3A_18, %get3A_121, %dot_general3A_122 {dimension_numbers = #tpu.dot_dimension_numbers<[1], [0], [0], [1], [0, 0, 1, 1], [], []>, transpose_lhs_hint = false} : vector<3136x64xbf16>, vector<64x128xbf16>, vector<3136x128xf32> -> vector<3136x128xf32>
    %get3A_124 = arith.constant 1 : index
    %get3A_125 = arith.constant 2 : index
    %get3A_126 = arith.constant 0 : index
    %get3A_127 = arith.constant 0 : index
    %get3A_128 = vector.load %arg2[%get3A_124, %get3A_125, %get3A_126, %get3A_127] : memref<3x3x64x128xbf16, #tpu.memory_space<vmem>>, vector<1x1x64x128xbf16>
    %get3A_129 = vector.shape_cast %get3A_128 : vector<1x1x64x128xbf16> to vector<64x128xbf16>
    %dot_general3A_130 = arith.constant dense<0.000000e+00> : vector<3136x128xf32>
    %dot_general3A_131 = tpu.matmul %reshape3A_25, %get3A_129, %dot_general3A_130 {dimension_numbers = #tpu.dot_dimension_numbers<[1], [0], [0], [1], [0, 0, 1, 1], [], []>, transpose_lhs_hint = false} : vector<3136x64xbf16>, vector<64x128xbf16>, vector<3136x128xf32> -> vector<3136x128xf32>
    %add3A_132 = arith.addf %dot_general3A_123, %dot_general3A_131 : vector<3136x128xf32>
    %broadcast_in_dim3A_133 = vector.shape_cast %get3A_29 : vector<128xf32> to vector<1x128xf32>
    %add3A_134 = vector.broadcast %broadcast_in_dim3A_133 : vector<1x128xf32> to vector<3136x128xf32>
    %add3A_135 = arith.addf %add3A_132, %add3A_134 : vector<3136x128xf32>
    %ge3A_136 = arith.constant 0.000000e+00 : f32
    %ge3A_137 = vector.broadcast %ge3A_136 : f32 to vector<3136x128xf32>
    %ge3A_138 = arith.cmpf oge, %add3A_135, %ge3A_137 : vector<3136x128xf32>
    %mul3A_139 = arith.constant 3.000000e-01 : f32
    %mul3A_140 = vector.broadcast %mul3A_139 : f32 to vector<3136x128xf32>
    %mul3A_141 = arith.mulf %mul3A_140, %add3A_135 : vector<3136x128xf32>
    %select_n3A_142 = arith.select %ge3A_138, %add3A_135, %mul3A_141 : vector<3136x128xi1>, vector<3136x128xf32>
    %convert_element_type3A_143 = arith.truncf %select_n3A_142 : vector<3136x128xf32> to vector<3136x128xbf16>
    %reshape3A_144 = vector.shape_cast %convert_element_type3A_143 : vector<3136x128xbf16> to vector<56x56x128xbf16>
    %swap3A_145 = arith.constant 0 : index
    %swap3A_146 = arith.constant 1 : index
    %swap3A_147 = arith.constant 0 : index
    %swap3A_148 = arith.constant 0 : index
    %swap3A_149 = arith.constant 0 : index
    %swap3A_150 = arith.constant 0 : index
    %swap3A_151 = vector.load %arg4[%swap3A_145, %swap3A_146, %swap3A_147, %swap3A_148, %swap3A_149, %swap3A_150] : memref<1x2x2x56x56x128xbf16, #tpu.memory_space<vmem>>, vector<1x1x1x56x56x128xbf16>
    %swap3A_152 = vector.shape_cast %swap3A_151 : vector<1x1x1x56x56x128xbf16> to vector<56x56x128xbf16>
    %swap3A_153 = vector.shape_cast %reshape3A_144 : vector<56x56x128xbf16> to vector<1x1x1x56x56x128xbf16>
    tpu.vector_store %arg4[%swap3A_145, %swap3A_146, %swap3A_147, %swap3A_148, %swap3A_149, %swap3A_150], %swap3A_153 {strides = array<i32>} : memref<1x2x2x56x56x128xbf16, #tpu.memory_space<vmem>>, vector<1x1x1x56x56x128xbf16>,
    %get3A_154 = arith.constant 1 : index
    %get3A_155 = arith.constant 1 : index
    %get3A_156 = arith.constant 0 : index
    %get3A_157 = arith.constant 0 : index
    %get3A_158 = vector.load %arg2[%get3A_154, %get3A_155, %get3A_156, %get3A_157] : memref<3x3x64x128xbf16, #tpu.memory_space<vmem>>, vector<1x1x64x128xbf16>
    %get3A_159 = vector.shape_cast %get3A_158 : vector<1x1x64x128xbf16> to vector<64x128xbf16>
    %dot_general3A_160 = arith.constant dense<0.000000e+00> : vector<3136x128xf32>
    %dot_general3A_161 = tpu.matmul %reshape3A_25, %get3A_159, %dot_general3A_160 {dimension_numbers = #tpu.dot_dimension_numbers<[1], [0], [0], [1], [0, 0, 1, 1], [], []>, transpose_lhs_hint = false} : vector<3136x64xbf16>, vector<64x128xbf16>, vector<3136x128xf32> -> vector<3136x128xf32>
    %broadcast_in_dim3A_162 = vector.shape_cast %get3A_29 : vector<128xf32> to vector<1x128xf32>
    %add3A_163 = vector.broadcast %broadcast_in_dim3A_162 : vector<1x128xf32> to vector<3136x128xf32>
    %add3A_164 = arith.addf %dot_general3A_161, %add3A_163 : vector<3136x128xf32>
    %ge3A_165 = arith.constant 0.000000e+00 : f32
    %ge3A_166 = vector.broadcast %ge3A_165 : f32 to vector<3136x128xf32>
    %ge3A_167 = arith.cmpf oge, %add3A_164, %ge3A_166 : vector<3136x128xf32>
    %mul3A_168 = arith.constant 3.000000e-01 : f32
    %mul3A_169 = vector.broadcast %mul3A_168 : f32 to vector<3136x128xf32>
    %mul3A_170 = arith.mulf %mul3A_169, %add3A_164 : vector<3136x128xf32>
    %select_n3A_171 = arith.select %ge3A_167, %add3A_164, %mul3A_170 : vector<3136x128xi1>, vector<3136x128xf32>
    %convert_element_type3A_172 = arith.truncf %select_n3A_171 : vector<3136x128xf32> to vector<3136x128xbf16>
    %reshape3A_173 = vector.shape_cast %convert_element_type3A_172 : vector<3136x128xbf16> to vector<56x56x128xbf16>
    %swap3A_174 = arith.constant 0 : index
    %swap3A_175 = arith.constant 1 : index
    %swap3A_176 = arith.constant 1 : index
    %swap3A_177 = arith.constant 0 : index
    %swap3A_178 = arith.constant 0 : index
    %swap3A_179 = arith.constant 0 : index
    %swap3A_180 = vector.load %arg4[%swap3A_174, %swap3A_175, %swap3A_176, %swap3A_177, %swap3A_178, %swap3A_179] : memref<1x2x2x56x56x128xbf16, #tpu.memory_space<vmem>>, vector<1x1x1x56x56x128xbf16>
    %swap3A_181 = vector.shape_cast %swap3A_180 : vector<1x1x1x56x56x128xbf16> to vector<56x56x128xbf16>
    %swap3A_182 = vector.shape_cast %reshape3A_173 : vector<56x56x128xbf16> to vector<1x1x1x56x56x128xbf16>
    tpu.vector_store %arg4[%swap3A_174, %swap3A_175, %swap3A_176, %swap3A_177, %swap3A_178, %swap3A_179], %swap3A_182 {strides = array<i32>} : memref<1x2x2x56x56x128xbf16, #tpu.memory_space<vmem>>, vector<1x1x1x56x56x128xbf16>,
    return
  }
  func.func @transform_0(%arg0: i32) -> (i32, i32, i32, i32) {
    %c0_i32 = arith.constant 0 : i32
    %c0_i32_0 = arith.constant 0 : i32
    %c0_i32_1 = arith.constant 0 : i32
    %c0_i32_2 = arith.constant 0 : i32
    return %arg0, %c0_i32, %c0_i32_0, %c0_i32_1 : i32, i32, i32, i32
  }
  func.func @transform_1(%arg0: i32) -> (i32, i32, i32, i32) {
    %c0_i32 = arith.constant 0 : i32
    %c0_i32_0 = arith.constant 0 : i32
    %c0_i32_1 = arith.constant 0 : i32
    %c0_i32_2 = arith.constant 0 : i32
    %c0_i32_3 = arith.constant 0 : i32
    return %c0_i32, %c0_i32_0, %c0_i32_1, %c0_i32_2 : i32, i32, i32, i32
  }
  func.func @transform_2(%arg0: i32) -> (i32, i32) {
    %c0_i32 = arith.constant 0 : i32
    %c0_i32_0 = arith.constant 0 : i32
    %c0_i32_1 = arith.constant 0 : i32
    return %c0_i32, %c0_i32_0 : i32, i32
  }
  func.func @transform_3(%arg0: i32) -> (i32, i32, i32, i32, i32, i32) {
    %c0_i32 = arith.constant 0 : i32
    %c0_i32_0 = arith.constant 0 : i32
    %c0_i32_1 = arith.constant 0 : i32
    %c0_i32_2 = arith.constant 0 : i32
    %c0_i32_3 = arith.constant 0 : i32
    %c0_i32_4 = arith.constant 0 : i32
    return %arg0, %c0_i32, %c0_i32_0, %c0_i32_1, %c0_i32_2, %c0_i32_3 : i32, i32, i32, i32, i32, i32
  }
}

module attributes {stable_mosaic.version = 14 : i64} {
  func.func @_dec2_body(%arg0: i32, %arg1: memref<1x2x2x57x57x128xbf16, #tpu.memory_space<vmem>>, %arg2: memref<3x3x128x64xbf16, #tpu.memory_space<vmem>>, %arg3: memref<1x64xf32, #tpu.memory_space<vmem>>, %arg4: memref<1x2x2x56x56x256xbf16, #tpu.memory_space<vmem>>) attributes {dimension_semantics = [#tpu.dimension_semantics<arbitrary>], iteration_bounds = array<i64: 8>, scalar_prefetch = 0 : i64, scratch_operands = 0 : i64, tpu.core_type = #tpu.core_type<tc>, window_params = [{transform_indices = @transform_0, window_bounds = array<i64: 1, 2, 2, 57, 57, 128>}, {pipeline_mode = #tpu.pipeline_mode<synchronous>, transform_indices = @transform_1, window_bounds = array<i64: 3, 3, 128, 64>}, {pipeline_mode = #tpu.pipeline_mode<synchronous>, transform_indices = @transform_2, window_bounds = array<i64: 1, 64>}, {transform_indices = @transform_3, window_bounds = array<i64: 1, 2, 2, 56, 56, 256>}]} {
    %get3A = arith.constant 0 : index
    %get3A_0 = arith.constant 0 : index
    %get3A_1 = vector.load %arg3[%get3A, %get3A_0] : memref<1x64xf32, #tpu.memory_space<vmem>>, vector<1x64xf32>
    %get3A_2 = vector.shape_cast %get3A_1 : vector<1x64xf32> to vector<64xf32>
    %get3A_3 = arith.constant 0 : index
    %get3A_4 = arith.constant 1 : index
    %get3A_5 = arith.constant 1 : index
    %get3A_6 = arith.constant 0 : index
    %get3A_7 = arith.constant 0 : index
    %get3A_8 = arith.constant 0 : index
    %get3A_9 = vector.load %arg1[%get3A_3, %get3A_4, %get3A_5, %get3A_6, %get3A_7, %get3A_8] : memref<1x2x2x57x57x128xbf16, #tpu.memory_space<vmem>>, vector<1x1x1x56x56x128xbf16>
    %get3A_10 = vector.shape_cast %get3A_9 : vector<1x1x1x56x56x128xbf16> to vector<56x56x128xbf16>
    %reshape3A = vector.shape_cast %get3A_10 : vector<56x56x128xbf16> to vector<3136x128xbf16>
    %get3A_11 = arith.constant 0 : index
    %get3A_12 = arith.constant 1 : index
    %get3A_13 = arith.constant 0 : index
    %get3A_14 = arith.constant 0 : index
    %get3A_15 = arith.constant 1 : index
    %get3A_16 = arith.constant 0 : index
    %get3A_17 = vector.load %arg1[%get3A_11, %get3A_12, %get3A_13, %get3A_14, %get3A_15, %get3A_16] : memref<1x2x2x57x57x128xbf16, #tpu.memory_space<vmem>>, vector<1x1x1x56x56x128xbf16>
    %get3A_18 = vector.shape_cast %get3A_17 : vector<1x1x1x56x56x128xbf16> to vector<56x56x128xbf16>
    %reshape3A_19 = vector.shape_cast %get3A_18 : vector<56x56x128xbf16> to vector<3136x128xbf16>
    %get3A_20 = arith.constant 0 : index
    %get3A_21 = arith.constant 1 : index
    %get3A_22 = arith.constant 1 : index
    %get3A_23 = arith.constant 0 : index
    %get3A_24 = arith.constant 1 : index
    %get3A_25 = arith.constant 0 : index
    %get3A_26 = vector.load %arg1[%get3A_20, %get3A_21, %get3A_22, %get3A_23, %get3A_24, %get3A_25] : memref<1x2x2x57x57x128xbf16, #tpu.memory_space<vmem>>, vector<1x1x1x56x56x128xbf16>
    %get3A_27 = vector.shape_cast %get3A_26 : vector<1x1x1x56x56x128xbf16> to vector<56x56x128xbf16>
    %reshape3A_28 = vector.shape_cast %get3A_27 : vector<56x56x128xbf16> to vector<3136x128xbf16>
    %get3A_29 = arith.constant 0 : index
    %get3A_30 = arith.constant 0 : index
    %get3A_31 = arith.constant 1 : index
    %get3A_32 = arith.constant 1 : index
    %get3A_33 = arith.constant 0 : index
    %get3A_34 = arith.constant 0 : index
    %get3A_35 = vector.load %arg1[%get3A_29, %get3A_30, %get3A_31, %get3A_32, %get3A_33, %get3A_34] : memref<1x2x2x57x57x128xbf16, #tpu.memory_space<vmem>>, vector<1x1x1x56x56x128xbf16>
    %get3A_36 = vector.shape_cast %get3A_35 : vector<1x1x1x56x56x128xbf16> to vector<56x56x128xbf16>
    %reshape3A_37 = vector.shape_cast %get3A_36 : vector<56x56x128xbf16> to vector<3136x128xbf16>
    %get3A_38 = arith.constant 0 : index
    %get3A_39 = arith.constant 0 : index
    %get3A_40 = arith.constant 0 : index
    %get3A_41 = arith.constant 1 : index
    %get3A_42 = arith.constant 1 : index
    %get3A_43 = arith.constant 0 : index
    %get3A_44 = vector.load %arg1[%get3A_38, %get3A_39, %get3A_40, %get3A_41, %get3A_42, %get3A_43] : memref<1x2x2x57x57x128xbf16, #tpu.memory_space<vmem>>, vector<1x1x1x56x56x128xbf16>
    %get3A_45 = vector.shape_cast %get3A_44 : vector<1x1x1x56x56x128xbf16> to vector<56x56x128xbf16>
    %reshape3A_46 = vector.shape_cast %get3A_45 : vector<56x56x128xbf16> to vector<3136x128xbf16>
    %get3A_47 = arith.constant 0 : index
    %get3A_48 = arith.constant 0 : index
    %get3A_49 = arith.constant 1 : index
    %get3A_50 = arith.constant 1 : index
    %get3A_51 = arith.constant 1 : index
    %get3A_52 = arith.constant 0 : index
    %get3A_53 = vector.load %arg1[%get3A_47, %get3A_48, %get3A_49, %get3A_50, %get3A_51, %get3A_52] : memref<1x2x2x57x57x128xbf16, #tpu.memory_space<vmem>>, vector<1x1x1x56x56x128xbf16>
    %get3A_54 = vector.shape_cast %get3A_53 : vector<1x1x1x56x56x128xbf16> to vector<56x56x128xbf16>
    %reshape3A_55 = vector.shape_cast %get3A_54 : vector<56x56x128xbf16> to vector<3136x128xbf16>
    %get3A_56 = arith.constant 0 : index
    %get3A_57 = arith.constant 1 : index
    %get3A_58 = arith.constant 1 : index
    %get3A_59 = arith.constant 1 : index
    %get3A_60 = arith.constant 0 : index
    %get3A_61 = arith.constant 0 : index
    %get3A_62 = vector.load %arg1[%get3A_56, %get3A_57, %get3A_58, %get3A_59, %get3A_60, %get3A_61] : memref<1x2x2x57x57x128xbf16, #tpu.memory_space<vmem>>, vector<1x1x1x56x56x128xbf16>
    %get3A_63 = vector.shape_cast %get3A_62 : vector<1x1x1x56x56x128xbf16> to vector<56x56x128xbf16>
    %reshape3A_64 = vector.shape_cast %get3A_63 : vector<56x56x128xbf16> to vector<3136x128xbf16>
    %get3A_65 = arith.constant 0 : index
    %get3A_66 = arith.constant 1 : index
    %get3A_67 = arith.constant 0 : index
    %get3A_68 = arith.constant 1 : index
    %get3A_69 = arith.constant 1 : index
    %get3A_70 = arith.constant 0 : index
    %get3A_71 = vector.load %arg1[%get3A_65, %get3A_66, %get3A_67, %get3A_68, %get3A_69, %get3A_70] : memref<1x2x2x57x57x128xbf16, #tpu.memory_space<vmem>>, vector<1x1x1x56x56x128xbf16>
    %get3A_72 = vector.shape_cast %get3A_71 : vector<1x1x1x56x56x128xbf16> to vector<56x56x128xbf16>
    %reshape3A_73 = vector.shape_cast %get3A_72 : vector<56x56x128xbf16> to vector<3136x128xbf16>
    %get3A_74 = arith.constant 0 : index
    %get3A_75 = arith.constant 1 : index
    %get3A_76 = arith.constant 1 : index
    %get3A_77 = arith.constant 1 : index
    %get3A_78 = arith.constant 1 : index
    %get3A_79 = arith.constant 0 : index
    %get3A_80 = vector.load %arg1[%get3A_74, %get3A_75, %get3A_76, %get3A_77, %get3A_78, %get3A_79] : memref<1x2x2x57x57x128xbf16, #tpu.memory_space<vmem>>, vector<1x1x1x56x56x128xbf16>
    %get3A_81 = vector.shape_cast %get3A_80 : vector<1x1x1x56x56x128xbf16> to vector<56x56x128xbf16>
    %reshape3A_82 = vector.shape_cast %get3A_81 : vector<56x56x128xbf16> to vector<3136x128xbf16>
    %broadcast_in_dim3A = arith.constant 0.000000e+00 : f32
    %broadcast_in_dim3A_83 = vector.broadcast %broadcast_in_dim3A : f32 to vector<3136x64xf32>
    %get3A_84 = arith.constant 0 : index
    %get3A_85 = arith.constant 0 : index
    %get3A_86 = arith.constant 0 : index
    %get3A_87 = arith.constant 0 : index
    %get3A_88 = vector.load %arg2[%get3A_84, %get3A_85, %get3A_86, %get3A_87] : memref<3x3x128x64xbf16, #tpu.memory_space<vmem>>, vector<1x1x128x64xbf16>
    %get3A_89 = vector.shape_cast %get3A_88 : vector<1x1x128x64xbf16> to vector<128x64xbf16>
    %dot_general3A = arith.constant dense<0.000000e+00> : vector<3136x64xf32>
    %dot_general3A_90 = tpu.matmul %reshape3A, %get3A_89, %dot_general3A {dimension_numbers = #tpu.dot_dimension_numbers<[1], [0], [0], [1], [0, 0, 1, 1], [], []>, transpose_lhs_hint = false} : vector<3136x128xbf16>, vector<128x64xbf16>, vector<3136x64xf32> -> vector<3136x64xf32>
    %add3A = arith.addf %broadcast_in_dim3A_83, %dot_general3A_90 : vector<3136x64xf32>
    %get3A_91 = arith.constant 0 : index
    %get3A_92 = arith.constant 2 : index
    %get3A_93 = arith.constant 0 : index
    %get3A_94 = arith.constant 0 : index
    %get3A_95 = vector.load %arg2[%get3A_91, %get3A_92, %get3A_93, %get3A_94] : memref<3x3x128x64xbf16, #tpu.memory_space<vmem>>, vector<1x1x128x64xbf16>
    %get3A_96 = vector.shape_cast %get3A_95 : vector<1x1x128x64xbf16> to vector<128x64xbf16>
    %dot_general3A_97 = arith.constant dense<0.000000e+00> : vector<3136x64xf32>
    %dot_general3A_98 = tpu.matmul %reshape3A_19, %get3A_96, %dot_general3A_97 {dimension_numbers = #tpu.dot_dimension_numbers<[1], [0], [0], [1], [0, 0, 1, 1], [], []>, transpose_lhs_hint = false} : vector<3136x128xbf16>, vector<128x64xbf16>, vector<3136x64xf32> -> vector<3136x64xf32>
    %add3A_99 = arith.addf %add3A, %dot_general3A_98 : vector<3136x64xf32>
    %get3A_100 = arith.constant 2 : index
    %get3A_101 = arith.constant 0 : index
    %get3A_102 = arith.constant 0 : index
    %get3A_103 = arith.constant 0 : index
    %get3A_104 = vector.load %arg2[%get3A_100, %get3A_101, %get3A_102, %get3A_103] : memref<3x3x128x64xbf16, #tpu.memory_space<vmem>>, vector<1x1x128x64xbf16>
    %get3A_105 = vector.shape_cast %get3A_104 : vector<1x1x128x64xbf16> to vector<128x64xbf16>
    %dot_general3A_106 = arith.constant dense<0.000000e+00> : vector<3136x64xf32>
    %dot_general3A_107 = tpu.matmul %reshape3A_37, %get3A_105, %dot_general3A_106 {dimension_numbers = #tpu.dot_dimension_numbers<[1], [0], [0], [1], [0, 0, 1, 1], [], []>, transpose_lhs_hint = false} : vector<3136x128xbf16>, vector<128x64xbf16>, vector<3136x64xf32> -> vector<3136x64xf32>
    %add3A_108 = arith.addf %add3A_99, %dot_general3A_107 : vector<3136x64xf32>
    %get3A_109 = arith.constant 2 : index
    %get3A_110 = arith.constant 2 : index
    %get3A_111 = arith.constant 0 : index
    %get3A_112 = arith.constant 0 : index
    %get3A_113 = vector.load %arg2[%get3A_109, %get3A_110, %get3A_111, %get3A_112] : memref<3x3x128x64xbf16, #tpu.memory_space<vmem>>, vector<1x1x128x64xbf16>
    %get3A_114 = vector.shape_cast %get3A_113 : vector<1x1x128x64xbf16> to vector<128x64xbf16>
    %dot_general3A_115 = arith.constant dense<0.000000e+00> : vector<3136x64xf32>
    %dot_general3A_116 = tpu.matmul %reshape3A_46, %get3A_114, %dot_general3A_115 {dimension_numbers = #tpu.dot_dimension_numbers<[1], [0], [0], [1], [0, 0, 1, 1], [], []>, transpose_lhs_hint = false} : vector<3136x128xbf16>, vector<128x64xbf16>, vector<3136x64xf32> -> vector<3136x64xf32>
    %add3A_117 = arith.addf %add3A_108, %dot_general3A_116 : vector<3136x64xf32>
    %broadcast_in_dim3A_118 = vector.shape_cast %get3A_2 : vector<64xf32> to vector<1x64xf32>
    %add3A_119 = vector.broadcast %broadcast_in_dim3A_118 : vector<1x64xf32> to vector<3136x64xf32>
    %add3A_120 = arith.addf %add3A_117, %add3A_119 : vector<3136x64xf32>
    %ge3A = arith.constant 0.000000e+00 : f32
    %ge3A_121 = vector.broadcast %ge3A : f32 to vector<3136x64xf32>
    %ge3A_122 = arith.cmpf oge, %add3A_120, %ge3A_121 : vector<3136x64xf32>
    %mul3A = arith.constant 3.000000e-01 : f32
    %mul3A_123 = vector.broadcast %mul3A : f32 to vector<3136x64xf32>
    %mul3A_124 = arith.mulf %mul3A_123, %add3A_120 : vector<3136x64xf32>
    %select_n3A = arith.select %ge3A_122, %add3A_120, %mul3A_124 : vector<3136x64xi1>, vector<3136x64xf32>
    %convert_element_type3A = arith.truncf %select_n3A : vector<3136x64xf32> to vector<3136x64xbf16>
    %broadcast_in_dim3A_125 = arith.constant 0.000000e+00 : f32
    %broadcast_in_dim3A_126 = vector.broadcast %broadcast_in_dim3A_125 : f32 to vector<3136x64xf32>
    %get3A_127 = arith.constant 0 : index
    %get3A_128 = arith.constant 0 : index
    %get3A_129 = arith.constant 0 : index
    %get3A_130 = arith.constant 0 : index
    %get3A_131 = vector.load %arg2[%get3A_127, %get3A_128, %get3A_129, %get3A_130] : memref<3x3x128x64xbf16, #tpu.memory_space<vmem>>, vector<1x1x128x64xbf16>
    %get3A_132 = vector.shape_cast %get3A_131 : vector<1x1x128x64xbf16> to vector<128x64xbf16>
    %dot_general3A_133 = arith.constant dense<0.000000e+00> : vector<3136x64xf32>
    %dot_general3A_134 = tpu.matmul %reshape3A_19, %get3A_132, %dot_general3A_133 {dimension_numbers = #tpu.dot_dimension_numbers<[1], [0], [0], [1], [0, 0, 1, 1], [], []>, transpose_lhs_hint = false} : vector<3136x128xbf16>, vector<128x64xbf16>, vector<3136x64xf32> -> vector<3136x64xf32>
    %add3A_135 = arith.addf %broadcast_in_dim3A_126, %dot_general3A_134 : vector<3136x64xf32>
    %get3A_136 = arith.constant 0 : index
    %get3A_137 = arith.constant 2 : index
    %get3A_138 = arith.constant 0 : index
    %get3A_139 = arith.constant 0 : index
    %get3A_140 = vector.load %arg2[%get3A_136, %get3A_137, %get3A_138, %get3A_139] : memref<3x3x128x64xbf16, #tpu.memory_space<vmem>>, vector<1x1x128x64xbf16>
    %get3A_141 = vector.shape_cast %get3A_140 : vector<1x1x128x64xbf16> to vector<128x64xbf16>
    %dot_general3A_142 = arith.constant dense<0.000000e+00> : vector<3136x64xf32>
    %dot_general3A_143 = tpu.matmul %reshape3A_28, %get3A_141, %dot_general3A_142 {dimension_numbers = #tpu.dot_dimension_numbers<[1], [0], [0], [1], [0, 0, 1, 1], [], []>, transpose_lhs_hint = false} : vector<3136x128xbf16>, vector<128x64xbf16>, vector<3136x64xf32> -> vector<3136x64xf32>
    %add3A_144 = arith.addf %add3A_135, %dot_general3A_143 : vector<3136x64xf32>
    %get3A_145 = arith.constant 2 : index
    %get3A_146 = arith.constant 0 : index
    %get3A_147 = arith.constant 0 : index
    %get3A_148 = arith.constant 0 : index
    %get3A_149 = vector.load %arg2[%get3A_145, %get3A_146, %get3A_147, %get3A_148] : memref<3x3x128x64xbf16, #tpu.memory_space<vmem>>, vector<1x1x128x64xbf16>
    %get3A_150 = vector.shape_cast %get3A_149 : vector<1x1x128x64xbf16> to vector<128x64xbf16>
    %dot_general3A_151 = arith.constant dense<0.000000e+00> : vector<3136x64xf32>
    %dot_general3A_152 = tpu.matmul %reshape3A_46, %get3A_150, %dot_general3A_151 {dimension_numbers = #tpu.dot_dimension_numbers<[1], [0], [0], [1], [0, 0, 1, 1], [], []>, transpose_lhs_hint = false} : vector<3136x128xbf16>, vector<128x64xbf16>, vector<3136x64xf32> -> vector<3136x64xf32>
    %add3A_153 = arith.addf %add3A_144, %dot_general3A_152 : vector<3136x64xf32>
    %get3A_154 = arith.constant 2 : index
    %get3A_155 = arith.constant 2 : index
    %get3A_156 = arith.constant 0 : index
    %get3A_157 = arith.constant 0 : index
    %get3A_158 = vector.load %arg2[%get3A_154, %get3A_155, %get3A_156, %get3A_157] : memref<3x3x128x64xbf16, #tpu.memory_space<vmem>>, vector<1x1x128x64xbf16>
    %get3A_159 = vector.shape_cast %get3A_158 : vector<1x1x128x64xbf16> to vector<128x64xbf16>
    %dot_general3A_160 = arith.constant dense<0.000000e+00> : vector<3136x64xf32>
    %dot_general3A_161 = tpu.matmul %reshape3A_55, %get3A_159, %dot_general3A_160 {dimension_numbers = #tpu.dot_dimension_numbers<[1], [0], [0], [1], [0, 0, 1, 1], [], []>, transpose_lhs_hint = false} : vector<3136x128xbf16>, vector<128x64xbf16>, vector<3136x64xf32> -> vector<3136x64xf32>
    %add3A_162 = arith.addf %add3A_153, %dot_general3A_161 : vector<3136x64xf32>
    %broadcast_in_dim3A_163 = vector.shape_cast %get3A_2 : vector<64xf32> to vector<1x64xf32>
    %add3A_164 = vector.broadcast %broadcast_in_dim3A_163 : vector<1x64xf32> to vector<3136x64xf32>
    %add3A_165 = arith.addf %add3A_162, %add3A_164 : vector<3136x64xf32>
    %ge3A_166 = arith.constant 0.000000e+00 : f32
    %ge3A_167 = vector.broadcast %ge3A_166 : f32 to vector<3136x64xf32>
    %ge3A_168 = arith.cmpf oge, %add3A_165, %ge3A_167 : vector<3136x64xf32>
    %mul3A_169 = arith.constant 3.000000e-01 : f32
    %mul3A_170 = vector.broadcast %mul3A_169 : f32 to vector<3136x64xf32>
    %mul3A_171 = arith.mulf %mul3A_170, %add3A_165 : vector<3136x64xf32>
    %select_n3A_172 = arith.select %ge3A_168, %add3A_165, %mul3A_171 : vector<3136x64xi1>, vector<3136x64xf32>
    %convert_element_type3A_173 = arith.truncf %select_n3A_172 : vector<3136x64xf32> to vector<3136x64xbf16>
    %broadcast_in_dim3A_174 = arith.constant 0.000000e+00 : f32
    %broadcast_in_dim3A_175 = vector.broadcast %broadcast_in_dim3A_174 : f32 to vector<3136x64xf32>
    %get3A_176 = arith.constant 0 : index
    %get3A_177 = arith.constant 0 : index
    %get3A_178 = arith.constant 0 : index
    %get3A_179 = arith.constant 0 : index
    %get3A_180 = vector.load %arg2[%get3A_176, %get3A_177, %get3A_178, %get3A_179] : memref<3x3x128x64xbf16, #tpu.memory_space<vmem>>, vector<1x1x128x64xbf16>
    %get3A_181 = vector.shape_cast %get3A_180 : vector<1x1x128x64xbf16> to vector<128x64xbf16>
    %dot_general3A_182 = arith.constant dense<0.000000e+00> : vector<3136x64xf32>
    %dot_general3A_183 = tpu.matmul %reshape3A_37, %get3A_181, %dot_general3A_182 {dimension_numbers = #tpu.dot_dimension_numbers<[1], [0], [0], [1], [0, 0, 1, 1], [], []>, transpose_lhs_hint = false} : vector<3136x128xbf16>, vector<128x64xbf16>, vector<3136x64xf32> -> vector<3136x64xf32>
    %add3A_184 = arith.addf %broadcast_in_dim3A_175, %dot_general3A_183 : vector<3136x64xf32>
    %get3A_185 = arith.constant 0 : index
    %get3A_186 = arith.constant 2 : index
    %get3A_187 = arith.constant 0 : index
    %get3A_188 = arith.constant 0 : index
    %get3A_189 = vector.load %arg2[%get3A_185, %get3A_186, %get3A_187, %get3A_188] : memref<3x3x128x64xbf16, #tpu.memory_space<vmem>>, vector<1x1x128x64xbf16>
    %get3A_190 = vector.shape_cast %get3A_189 : vector<1x1x128x64xbf16> to vector<128x64xbf16>
    %dot_general3A_191 = arith.constant dense<0.000000e+00> : vector<3136x64xf32>
    %dot_general3A_192 = tpu.matmul %reshape3A_46, %get3A_190, %dot_general3A_191 {dimension_numbers = #tpu.dot_dimension_numbers<[1], [0], [0], [1], [0, 0, 1, 1], [], []>, transpose_lhs_hint = false} : vector<3136x128xbf16>, vector<128x64xbf16>, vector<3136x64xf32> -> vector<3136x64xf32>
    %add3A_193 = arith.addf %add3A_184, %dot_general3A_192 : vector<3136x64xf32>
    %get3A_194 = arith.constant 2 : index
    %get3A_195 = arith.constant 0 : index
    %get3A_196 = arith.constant 0 : index
    %get3A_197 = arith.constant 0 : index
    %get3A_198 = vector.load %arg2[%get3A_194, %get3A_195, %get3A_196, %get3A_197] : memref<3x3x128x64xbf16, #tpu.memory_space<vmem>>, vector<1x1x128x64xbf16>
    %get3A_199 = vector.shape_cast %get3A_198 : vector<1x1x128x64xbf16> to vector<128x64xbf16>
    %dot_general3A_200 = arith.constant dense<0.000000e+00> : vector<3136x64xf32>
    %dot_general3A_201 = tpu.matmul %reshape3A_64, %get3A_199, %dot_general3A_200 {dimension_numbers = #tpu.dot_dimension_numbers<[1], [0], [0], [1], [0, 0, 1, 1], [], []>, transpose_lhs_hint = false} : vector<3136x128xbf16>, vector<128x64xbf16>, vector<3136x64xf32> -> vector<3136x64xf32>
    %add3A_202 = arith.addf %add3A_193, %dot_general3A_201 : vector<3136x64xf32>
    %get3A_203 = arith.constant 2 : index
    %get3A_204 = arith.constant 2 : index
    %get3A_205 = arith.constant 0 : index
    %get3A_206 = arith.constant 0 : index
    %get3A_207 = vector.load %arg2[%get3A_203, %get3A_204, %get3A_205, %get3A_206] : memref<3x3x128x64xbf16, #tpu.memory_space<vmem>>, vector<1x1x128x64xbf16>
    %get3A_208 = vector.shape_cast %get3A_207 : vector<1x1x128x64xbf16> to vector<128x64xbf16>
    %dot_general3A_209 = arith.constant dense<0.000000e+00> : vector<3136x64xf32>
    %dot_general3A_210 = tpu.matmul %reshape3A_73, %get3A_208, %dot_general3A_209 {dimension_numbers = #tpu.dot_dimension_numbers<[1], [0], [0], [1], [0, 0, 1, 1], [], []>, transpose_lhs_hint = false} : vector<3136x128xbf16>, vector<128x64xbf16>, vector<3136x64xf32> -> vector<3136x64xf32>
    %add3A_211 = arith.addf %add3A_202, %dot_general3A_210 : vector<3136x64xf32>
    %broadcast_in_dim3A_212 = vector.shape_cast %get3A_2 : vector<64xf32> to vector<1x64xf32>
    %add3A_213 = vector.broadcast %broadcast_in_dim3A_212 : vector<1x64xf32> to vector<3136x64xf32>
    %add3A_214 = arith.addf %add3A_211, %add3A_213 : vector<3136x64xf32>
    %ge3A_215 = arith.constant 0.000000e+00 : f32
    %ge3A_216 = vector.broadcast %ge3A_215 : f32 to vector<3136x64xf32>
    %ge3A_217 = arith.cmpf oge, %add3A_214, %ge3A_216 : vector<3136x64xf32>
    %mul3A_218 = arith.constant 3.000000e-01 : f32
    %mul3A_219 = vector.broadcast %mul3A_218 : f32 to vector<3136x64xf32>
    %mul3A_220 = arith.mulf %mul3A_219, %add3A_214 : vector<3136x64xf32>
    %select_n3A_221 = arith.select %ge3A_217, %add3A_214, %mul3A_220 : vector<3136x64xi1>, vector<3136x64xf32>
    %convert_element_type3A_222 = arith.truncf %select_n3A_221 : vector<3136x64xf32> to vector<3136x64xbf16>
    %broadcast_in_dim3A_223 = arith.constant 0.000000e+00 : f32
    %broadcast_in_dim3A_224 = vector.broadcast %broadcast_in_dim3A_223 : f32 to vector<3136x64xf32>
    %get3A_225 = arith.constant 0 : index
    %get3A_226 = arith.constant 0 : index
    %get3A_227 = arith.constant 0 : index
    %get3A_228 = arith.constant 0 : index
    %get3A_229 = vector.load %arg2[%get3A_225, %get3A_226, %get3A_227, %get3A_228] : memref<3x3x128x64xbf16, #tpu.memory_space<vmem>>, vector<1x1x128x64xbf16>
    %get3A_230 = vector.shape_cast %get3A_229 : vector<1x1x128x64xbf16> to vector<128x64xbf16>
    %dot_general3A_231 = arith.constant dense<0.000000e+00> : vector<3136x64xf32>
    %dot_general3A_232 = tpu.matmul %reshape3A_46, %get3A_230, %dot_general3A_231 {dimension_numbers = #tpu.dot_dimension_numbers<[1], [0], [0], [1], [0, 0, 1, 1], [], []>, transpose_lhs_hint = false} : vector<3136x128xbf16>, vector<128x64xbf16>, vector<3136x64xf32> -> vector<3136x64xf32>
    %add3A_233 = arith.addf %broadcast_in_dim3A_224, %dot_general3A_232 : vector<3136x64xf32>
    %get3A_234 = arith.constant 0 : index
    %get3A_235 = arith.constant 2 : index
    %get3A_236 = arith.constant 0 : index
    %get3A_237 = arith.constant 0 : index
    %get3A_238 = vector.load %arg2[%get3A_234, %get3A_235, %get3A_236, %get3A_237] : memref<3x3x128x64xbf16, #tpu.memory_space<vmem>>, vector<1x1x128x64xbf16>
    %get3A_239 = vector.shape_cast %get3A_238 : vector<1x1x128x64xbf16> to vector<128x64xbf16>
    %dot_general3A_240 = arith.constant dense<0.000000e+00> : vector<3136x64xf32>
    %dot_general3A_241 = tpu.matmul %reshape3A_55, %get3A_239, %dot_general3A_240 {dimension_numbers = #tpu.dot_dimension_numbers<[1], [0], [0], [1], [0, 0, 1, 1], [], []>, transpose_lhs_hint = false} : vector<3136x128xbf16>, vector<128x64xbf16>, vector<3136x64xf32> -> vector<3136x64xf32>
    %add3A_242 = arith.addf %add3A_233, %dot_general3A_241 : vector<3136x64xf32>
    %get3A_243 = arith.constant 2 : index
    %get3A_244 = arith.constant 0 : index
    %get3A_245 = arith.constant 0 : index
    %get3A_246 = arith.constant 0 : index
    %get3A_247 = vector.load %arg2[%get3A_243, %get3A_244, %get3A_245, %get3A_246] : memref<3x3x128x64xbf16, #tpu.memory_space<vmem>>, vector<1x1x128x64xbf16>
    %get3A_248 = vector.shape_cast %get3A_247 : vector<1x1x128x64xbf16> to vector<128x64xbf16>
    %dot_general3A_249 = arith.constant dense<0.000000e+00> : vector<3136x64xf32>
    %dot_general3A_250 = tpu.matmul %reshape3A_73, %get3A_248, %dot_general3A_249 {dimension_numbers = #tpu.dot_dimension_numbers<[1], [0], [0], [1], [0, 0, 1, 1], [], []>, transpose_lhs_hint = false} : vector<3136x128xbf16>, vector<128x64xbf16>, vector<3136x64xf32> -> vector<3136x64xf32>
    %add3A_251 = arith.addf %add3A_242, %dot_general3A_250 : vector<3136x64xf32>
    %get3A_252 = arith.constant 2 : index
    %get3A_253 = arith.constant 2 : index
    %get3A_254 = arith.constant 0 : index
    %get3A_255 = arith.constant 0 : index
    %get3A_256 = vector.load %arg2[%get3A_252, %get3A_253, %get3A_254, %get3A_255] : memref<3x3x128x64xbf16, #tpu.memory_space<vmem>>, vector<1x1x128x64xbf16>
    %get3A_257 = vector.shape_cast %get3A_256 : vector<1x1x128x64xbf16> to vector<128x64xbf16>
    %dot_general3A_258 = arith.constant dense<0.000000e+00> : vector<3136x64xf32>
    %dot_general3A_259 = tpu.matmul %reshape3A_82, %get3A_257, %dot_general3A_258 {dimension_numbers = #tpu.dot_dimension_numbers<[1], [0], [0], [1], [0, 0, 1, 1], [], []>, transpose_lhs_hint = false} : vector<3136x128xbf16>, vector<128x64xbf16>, vector<3136x64xf32> -> vector<3136x64xf32>
    %add3A_260 = arith.addf %add3A_251, %dot_general3A_259 : vector<3136x64xf32>
    %broadcast_in_dim3A_261 = vector.shape_cast %get3A_2 : vector<64xf32> to vector<1x64xf32>
    %add3A_262 = vector.broadcast %broadcast_in_dim3A_261 : vector<1x64xf32> to vector<3136x64xf32>
    %add3A_263 = arith.addf %add3A_260, %add3A_262 : vector<3136x64xf32>
    %ge3A_264 = arith.constant 0.000000e+00 : f32
    %ge3A_265 = vector.broadcast %ge3A_264 : f32 to vector<3136x64xf32>
    %ge3A_266 = arith.cmpf oge, %add3A_263, %ge3A_265 : vector<3136x64xf32>
    %mul3A_267 = arith.constant 3.000000e-01 : f32
    %mul3A_268 = vector.broadcast %mul3A_267 : f32 to vector<3136x64xf32>
    %mul3A_269 = arith.mulf %mul3A_268, %add3A_263 : vector<3136x64xf32>
    %select_n3A_270 = arith.select %ge3A_266, %add3A_263, %mul3A_269 : vector<3136x64xi1>, vector<3136x64xf32>
    %convert_element_type3A_271 = arith.truncf %select_n3A_270 : vector<3136x64xf32> to vector<3136x64xbf16>
    %concatenate3A = tpu.concatenate %convert_element_type3A, %convert_element_type3A_173, %convert_element_type3A_222, %convert_element_type3A_271 in 1 : vector<3136x64xbf16>, vector<3136x64xbf16>, vector<3136x64xbf16>, vector<3136x64xbf16> -> vector<3136x256xbf16>
    %reshape3A_272 = vector.shape_cast %concatenate3A : vector<3136x256xbf16> to vector<56x56x256xbf16>
    %swap3A = arith.constant 0 : index
    %swap3A_273 = arith.constant 0 : index
    %swap3A_274 = arith.constant 0 : index
    %swap3A_275 = arith.constant 0 : index
    %swap3A_276 = arith.constant 0 : index
    %swap3A_277 = arith.constant 0 : index
    %swap3A_278 = vector.load %arg4[%swap3A, %swap3A_273, %swap3A_274, %swap3A_275, %swap3A_276, %swap3A_277] : memref<1x2x2x56x56x256xbf16, #tpu.memory_space<vmem>>, vector<1x1x1x56x56x256xbf16>
    %swap3A_279 = vector.shape_cast %swap3A_278 : vector<1x1x1x56x56x256xbf16> to vector<56x56x256xbf16>
    %swap3A_280 = vector.shape_cast %reshape3A_272 : vector<56x56x256xbf16> to vector<1x1x1x56x56x256xbf16>
    tpu.vector_store %arg4[%swap3A, %swap3A_273, %swap3A_274, %swap3A_275, %swap3A_276, %swap3A_277], %swap3A_280 {strides = array<i32>} : memref<1x2x2x56x56x256xbf16, #tpu.memory_space<vmem>>, vector<1x1x1x56x56x256xbf16>,
    %broadcast_in_dim3A_281 = arith.constant 0.000000e+00 : f32
    %broadcast_in_dim3A_282 = vector.broadcast %broadcast_in_dim3A_281 : f32 to vector<3136x64xf32>
    %get3A_283 = arith.constant 0 : index
    %get3A_284 = arith.constant 1 : index
    %get3A_285 = arith.constant 0 : index
    %get3A_286 = arith.constant 0 : index
    %get3A_287 = vector.load %arg2[%get3A_283, %get3A_284, %get3A_285, %get3A_286] : memref<3x3x128x64xbf16, #tpu.memory_space<vmem>>, vector<1x1x128x64xbf16>
    %get3A_288 = vector.shape_cast %get3A_287 : vector<1x1x128x64xbf16> to vector<128x64xbf16>
    %dot_general3A_289 = arith.constant dense<0.000000e+00> : vector<3136x64xf32>
    %dot_general3A_290 = tpu.matmul %reshape3A_19, %get3A_288, %dot_general3A_289 {dimension_numbers = #tpu.dot_dimension_numbers<[1], [0], [0], [1], [0, 0, 1, 1], [], []>, transpose_lhs_hint = false} : vector<3136x128xbf16>, vector<128x64xbf16>, vector<3136x64xf32> -> vector<3136x64xf32>
    %add3A_291 = arith.addf %broadcast_in_dim3A_282, %dot_general3A_290 : vector<3136x64xf32>
    %get3A_292 = arith.constant 2 : index
    %get3A_293 = arith.constant 1 : index
    %get3A_294 = arith.constant 0 : index
    %get3A_295 = arith.constant 0 : index
    %get3A_296 = vector.load %arg2[%get3A_292, %get3A_293, %get3A_294, %get3A_295] : memref<3x3x128x64xbf16, #tpu.memory_space<vmem>>, vector<1x1x128x64xbf16>
    %get3A_297 = vector.shape_cast %get3A_296 : vector<1x1x128x64xbf16> to vector<128x64xbf16>
    %dot_general3A_298 = arith.constant dense<0.000000e+00> : vector<3136x64xf32>
    %dot_general3A_299 = tpu.matmul %reshape3A_46, %get3A_297, %dot_general3A_298 {dimension_numbers = #tpu.dot_dimension_numbers<[1], [0], [0], [1], [0, 0, 1, 1], [], []>, transpose_lhs_hint = false} : vector<3136x128xbf16>, vector<128x64xbf16>, vector<3136x64xf32> -> vector<3136x64xf32>
    %add3A_300 = arith.addf %add3A_291, %dot_general3A_299 : vector<3136x64xf32>
    %broadcast_in_dim3A_301 = vector.shape_cast %get3A_2 : vector<64xf32> to vector<1x64xf32>
    %add3A_302 = vector.broadcast %broadcast_in_dim3A_301 : vector<1x64xf32> to vector<3136x64xf32>
    %add3A_303 = arith.addf %add3A_300, %add3A_302 : vector<3136x64xf32>
    %ge3A_304 = arith.constant 0.000000e+00 : f32
    %ge3A_305 = vector.broadcast %ge3A_304 : f32 to vector<3136x64xf32>
    %ge3A_306 = arith.cmpf oge, %add3A_303, %ge3A_305 : vector<3136x64xf32>
    %mul3A_307 = arith.constant 3.000000e-01 : f32
    %mul3A_308 = vector.broadcast %mul3A_307 : f32 to vector<3136x64xf32>
    %mul3A_309 = arith.mulf %mul3A_308, %add3A_303 : vector<3136x64xf32>
    %select_n3A_310 = arith.select %ge3A_306, %add3A_303, %mul3A_309 : vector<3136x64xi1>, vector<3136x64xf32>
    %convert_element_type3A_311 = arith.truncf %select_n3A_310 : vector<3136x64xf32> to vector<3136x64xbf16>
    %broadcast_in_dim3A_312 = arith.constant 0.000000e+00 : f32
    %broadcast_in_dim3A_313 = vector.broadcast %broadcast_in_dim3A_312 : f32 to vector<3136x64xf32>
    %get3A_314 = arith.constant 0 : index
    %get3A_315 = arith.constant 1 : index
    %get3A_316 = arith.constant 0 : index
    %get3A_317 = arith.constant 0 : index
    %get3A_318 = vector.load %arg2[%get3A_314, %get3A_315, %get3A_316, %get3A_317] : memref<3x3x128x64xbf16, #tpu.memory_space<vmem>>, vector<1x1x128x64xbf16>
    %get3A_319 = vector.shape_cast %get3A_318 : vector<1x1x128x64xbf16> to vector<128x64xbf16>
    %dot_general3A_320 = arith.constant dense<0.000000e+00> : vector<3136x64xf32>
    %dot_general3A_321 = tpu.matmul %reshape3A_28, %get3A_319, %dot_general3A_320 {dimension_numbers = #tpu.dot_dimension_numbers<[1], [0], [0], [1], [0, 0, 1, 1], [], []>, transpose_lhs_hint = false} : vector<3136x128xbf16>, vector<128x64xbf16>, vector<3136x64xf32> -> vector<3136x64xf32>
    %add3A_322 = arith.addf %broadcast_in_dim3A_313, %dot_general3A_321 : vector<3136x64xf32>
    %get3A_323 = arith.constant 2 : index
    %get3A_324 = arith.constant 1 : index
    %get3A_325 = arith.constant 0 : index
    %get3A_326 = arith.constant 0 : index
    %get3A_327 = vector.load %arg2[%get3A_323, %get3A_324, %get3A_325, %get3A_326] : memref<3x3x128x64xbf16, #tpu.memory_space<vmem>>, vector<1x1x128x64xbf16>
    %get3A_328 = vector.shape_cast %get3A_327 : vector<1x1x128x64xbf16> to vector<128x64xbf16>
    %dot_general3A_329 = arith.constant dense<0.000000e+00> : vector<3136x64xf32>
    %dot_general3A_330 = tpu.matmul %reshape3A_55, %get3A_328, %dot_general3A_329 {dimension_numbers = #tpu.dot_dimension_numbers<[1], [0], [0], [1], [0, 0, 1, 1], [], []>, transpose_lhs_hint = false} : vector<3136x128xbf16>, vector<128x64xbf16>, vector<3136x64xf32> -> vector<3136x64xf32>
    %add3A_331 = arith.addf %add3A_322, %dot_general3A_330 : vector<3136x64xf32>
    %broadcast_in_dim3A_332 = vector.shape_cast %get3A_2 : vector<64xf32> to vector<1x64xf32>
    %add3A_333 = vector.broadcast %broadcast_in_dim3A_332 : vector<1x64xf32> to vector<3136x64xf32>
    %add3A_334 = arith.addf %add3A_331, %add3A_333 : vector<3136x64xf32>
    %ge3A_335 = arith.constant 0.000000e+00 : f32
    %ge3A_336 = vector.broadcast %ge3A_335 : f32 to vector<3136x64xf32>
    %ge3A_337 = arith.cmpf oge, %add3A_334, %ge3A_336 : vector<3136x64xf32>
    %mul3A_338 = arith.constant 3.000000e-01 : f32
    %mul3A_339 = vector.broadcast %mul3A_338 : f32 to vector<3136x64xf32>
    %mul3A_340 = arith.mulf %mul3A_339, %add3A_334 : vector<3136x64xf32>
    %select_n3A_341 = arith.select %ge3A_337, %add3A_334, %mul3A_340 : vector<3136x64xi1>, vector<3136x64xf32>
    %convert_element_type3A_342 = arith.truncf %select_n3A_341 : vector<3136x64xf32> to vector<3136x64xbf16>
    %broadcast_in_dim3A_343 = arith.constant 0.000000e+00 : f32
    %broadcast_in_dim3A_344 = vector.broadcast %broadcast_in_dim3A_343 : f32 to vector<3136x64xf32>
    %get3A_345 = arith.constant 0 : index
    %get3A_346 = arith.constant 1 : index
    %get3A_347 = arith.constant 0 : index
    %get3A_348 = arith.constant 0 : index
    %get3A_349 = vector.load %arg2[%get3A_345, %get3A_346, %get3A_347, %get3A_348] : memref<3x3x128x64xbf16, #tpu.memory_space<vmem>>, vector<1x1x128x64xbf16>
    %get3A_350 = vector.shape_cast %get3A_349 : vector<1x1x128x64xbf16> to vector<128x64xbf16>
    %dot_general3A_351 = arith.constant dense<0.000000e+00> : vector<3136x64xf32>
    %dot_general3A_352 = tpu.matmul %reshape3A_46, %get3A_350, %dot_general3A_351 {dimension_numbers = #tpu.dot_dimension_numbers<[1], [0], [0], [1], [0, 0, 1, 1], [], []>, transpose_lhs_hint = false} : vector<3136x128xbf16>, vector<128x64xbf16>, vector<3136x64xf32> -> vector<3136x64xf32>
    %add3A_353 = arith.addf %broadcast_in_dim3A_344, %dot_general3A_352 : vector<3136x64xf32>
    %get3A_354 = arith.constant 2 : index
    %get3A_355 = arith.constant 1 : index
    %get3A_356 = arith.constant 0 : index
    %get3A_357 = arith.constant 0 : index
    %get3A_358 = vector.load %arg2[%get3A_354, %get3A_355, %get3A_356, %get3A_357] : memref<3x3x128x64xbf16, #tpu.memory_space<vmem>>, vector<1x1x128x64xbf16>
    %get3A_359 = vector.shape_cast %get3A_358 : vector<1x1x128x64xbf16> to vector<128x64xbf16>
    %dot_general3A_360 = arith.constant dense<0.000000e+00> : vector<3136x64xf32>
    %dot_general3A_361 = tpu.matmul %reshape3A_73, %get3A_359, %dot_general3A_360 {dimension_numbers = #tpu.dot_dimension_numbers<[1], [0], [0], [1], [0, 0, 1, 1], [], []>, transpose_lhs_hint = false} : vector<3136x128xbf16>, vector<128x64xbf16>, vector<3136x64xf32> -> vector<3136x64xf32>
    %add3A_362 = arith.addf %add3A_353, %dot_general3A_361 : vector<3136x64xf32>
    %broadcast_in_dim3A_363 = vector.shape_cast %get3A_2 : vector<64xf32> to vector<1x64xf32>
    %add3A_364 = vector.broadcast %broadcast_in_dim3A_363 : vector<1x64xf32> to vector<3136x64xf32>
    %add3A_365 = arith.addf %add3A_362, %add3A_364 : vector<3136x64xf32>
    %ge3A_366 = arith.constant 0.000000e+00 : f32
    %ge3A_367 = vector.broadcast %ge3A_366 : f32 to vector<3136x64xf32>
    %ge3A_368 = arith.cmpf oge, %add3A_365, %ge3A_367 : vector<3136x64xf32>
    %mul3A_369 = arith.constant 3.000000e-01 : f32
    %mul3A_370 = vector.broadcast %mul3A_369 : f32 to vector<3136x64xf32>
    %mul3A_371 = arith.mulf %mul3A_370, %add3A_365 : vector<3136x64xf32>
    %select_n3A_372 = arith.select %ge3A_368, %add3A_365, %mul3A_371 : vector<3136x64xi1>, vector<3136x64xf32>
    %convert_element_type3A_373 = arith.truncf %select_n3A_372 : vector<3136x64xf32> to vector<3136x64xbf16>
    %broadcast_in_dim3A_374 = arith.constant 0.000000e+00 : f32
    %broadcast_in_dim3A_375 = vector.broadcast %broadcast_in_dim3A_374 : f32 to vector<3136x64xf32>
    %get3A_376 = arith.constant 0 : index
    %get3A_377 = arith.constant 1 : index
    %get3A_378 = arith.constant 0 : index
    %get3A_379 = arith.constant 0 : index
    %get3A_380 = vector.load %arg2[%get3A_376, %get3A_377, %get3A_378, %get3A_379] : memref<3x3x128x64xbf16, #tpu.memory_space<vmem>>, vector<1x1x128x64xbf16>
    %get3A_381 = vector.shape_cast %get3A_380 : vector<1x1x128x64xbf16> to vector<128x64xbf16>
    %dot_general3A_382 = arith.constant dense<0.000000e+00> : vector<3136x64xf32>
    %dot_general3A_383 = tpu.matmul %reshape3A_55, %get3A_381, %dot_general3A_382 {dimension_numbers = #tpu.dot_dimension_numbers<[1], [0], [0], [1], [0, 0, 1, 1], [], []>, transpose_lhs_hint = false} : vector<3136x128xbf16>, vector<128x64xbf16>, vector<3136x64xf32> -> vector<3136x64xf32>
    %add3A_384 = arith.addf %broadcast_in_dim3A_375, %dot_general3A_383 : vector<3136x64xf32>
    %get3A_385 = arith.constant 2 : index
    %get3A_386 = arith.constant 1 : index
    %get3A_387 = arith.constant 0 : index
    %get3A_388 = arith.constant 0 : index
    %get3A_389 = vector.load %arg2[%get3A_385, %get3A_386, %get3A_387, %get3A_388] : memref<3x3x128x64xbf16, #tpu.memory_space<vmem>>, vector<1x1x128x64xbf16>
    %get3A_390 = vector.shape_cast %get3A_389 : vector<1x1x128x64xbf16> to vector<128x64xbf16>
    %dot_general3A_391 = arith.constant dense<0.000000e+00> : vector<3136x64xf32>
    %dot_general3A_392 = tpu.matmul %reshape3A_82, %get3A_390, %dot_general3A_391 {dimension_numbers = #tpu.dot_dimension_numbers<[1], [0], [0], [1], [0, 0, 1, 1], [], []>, transpose_lhs_hint = false} : vector<3136x128xbf16>, vector<128x64xbf16>, vector<3136x64xf32> -> vector<3136x64xf32>
    %add3A_393 = arith.addf %add3A_384, %dot_general3A_392 : vector<3136x64xf32>
    %broadcast_in_dim3A_394 = vector.shape_cast %get3A_2 : vector<64xf32> to vector<1x64xf32>
    %add3A_395 = vector.broadcast %broadcast_in_dim3A_394 : vector<1x64xf32> to vector<3136x64xf32>
    %add3A_396 = arith.addf %add3A_393, %add3A_395 : vector<3136x64xf32>
    %ge3A_397 = arith.constant 0.000000e+00 : f32
    %ge3A_398 = vector.broadcast %ge3A_397 : f32 to vector<3136x64xf32>
    %ge3A_399 = arith.cmpf oge, %add3A_396, %ge3A_398 : vector<3136x64xf32>
    %mul3A_400 = arith.constant 3.000000e-01 : f32
    %mul3A_401 = vector.broadcast %mul3A_400 : f32 to vector<3136x64xf32>
    %mul3A_402 = arith.mulf %mul3A_401, %add3A_396 : vector<3136x64xf32>
    %select_n3A_403 = arith.select %ge3A_399, %add3A_396, %mul3A_402 : vector<3136x64xi1>, vector<3136x64xf32>
    %convert_element_type3A_404 = arith.truncf %select_n3A_403 : vector<3136x64xf32> to vector<3136x64xbf16>
    %concatenate3A_405 = tpu.concatenate %convert_element_type3A_311, %convert_element_type3A_342, %convert_element_type3A_373, %convert_element_type3A_404 in 1 : vector<3136x64xbf16>, vector<3136x64xbf16>, vector<3136x64xbf16>, vector<3136x64xbf16> -> vector<3136x256xbf16>
    %reshape3A_406 = vector.shape_cast %concatenate3A_405 : vector<3136x256xbf16> to vector<56x56x256xbf16>
    %swap3A_407 = arith.constant 0 : index
    %swap3A_408 = arith.constant 0 : index
    %swap3A_409 = arith.constant 1 : index
    %swap3A_410 = arith.constant 0 : index
    %swap3A_411 = arith.constant 0 : index
    %swap3A_412 = arith.constant 0 : index
    %swap3A_413 = vector.load %arg4[%swap3A_407, %swap3A_408, %swap3A_409, %swap3A_410, %swap3A_411, %swap3A_412] : memref<1x2x2x56x56x256xbf16, #tpu.memory_space<vmem>>, vector<1x1x1x56x56x256xbf16>
    %swap3A_414 = vector.shape_cast %swap3A_413 : vector<1x1x1x56x56x256xbf16> to vector<56x56x256xbf16>
    %swap3A_415 = vector.shape_cast %reshape3A_406 : vector<56x56x256xbf16> to vector<1x1x1x56x56x256xbf16>
    tpu.vector_store %arg4[%swap3A_407, %swap3A_408, %swap3A_409, %swap3A_410, %swap3A_411, %swap3A_412], %swap3A_415 {strides = array<i32>} : memref<1x2x2x56x56x256xbf16, #tpu.memory_space<vmem>>, vector<1x1x1x56x56x256xbf16>,
    %broadcast_in_dim3A_416 = arith.constant 0.000000e+00 : f32
    %broadcast_in_dim3A_417 = vector.broadcast %broadcast_in_dim3A_416 : f32 to vector<3136x64xf32>
    %get3A_418 = arith.constant 1 : index
    %get3A_419 = arith.constant 0 : index
    %get3A_420 = arith.constant 0 : index
    %get3A_421 = arith.constant 0 : index
    %get3A_422 = vector.load %arg2[%get3A_418, %get3A_419, %get3A_420, %get3A_421] : memref<3x3x128x64xbf16, #tpu.memory_space<vmem>>, vector<1x1x128x64xbf16>
    %get3A_423 = vector.shape_cast %get3A_422 : vector<1x1x128x64xbf16> to vector<128x64xbf16>
    %dot_general3A_424 = arith.constant dense<0.000000e+00> : vector<3136x64xf32>
    %dot_general3A_425 = tpu.matmul %reshape3A_37, %get3A_423, %dot_general3A_424 {dimension_numbers = #tpu.dot_dimension_numbers<[1], [0], [0], [1], [0, 0, 1, 1], [], []>, transpose_lhs_hint = false} : vector<3136x128xbf16>, vector<128x64xbf16>, vector<3136x64xf32> -> vector<3136x64xf32>
    %add3A_426 = arith.addf %broadcast_in_dim3A_417, %dot_general3A_425 : vector<3136x64xf32>
    %get3A_427 = arith.constant 1 : index
    %get3A_428 = arith.constant 2 : index
    %get3A_429 = arith.constant 0 : index
    %get3A_430 = arith.constant 0 : index
    %get3A_431 = vector.load %arg2[%get3A_427, %get3A_428, %get3A_429, %get3A_430] : memref<3x3x128x64xbf16, #tpu.memory_space<vmem>>, vector<1x1x128x64xbf16>
    %get3A_432 = vector.shape_cast %get3A_431 : vector<1x1x128x64xbf16> to vector<128x64xbf16>
    %dot_general3A_433 = arith.constant dense<0.000000e+00> : vector<3136x64xf32>
    %dot_general3A_434 = tpu.matmul %reshape3A_46, %get3A_432, %dot_general3A_433 {dimension_numbers = #tpu.dot_dimension_numbers<[1], [0], [0], [1], [0, 0, 1, 1], [], []>, transpose_lhs_hint = false} : vector<3136x128xbf16>, vector<128x64xbf16>, vector<3136x64xf32> -> vector<3136x64xf32>
    %add3A_435 = arith.addf %add3A_426, %dot_general3A_434 : vector<3136x64xf32>
    %broadcast_in_dim3A_436 = vector.shape_cast %get3A_2 : vector<64xf32> to vector<1x64xf32>
    %add3A_437 = vector.broadcast %broadcast_in_dim3A_436 : vector<1x64xf32> to vector<3136x64xf32>
    %add3A_438 = arith.addf %add3A_435, %add3A_437 : vector<3136x64xf32>
    %ge3A_439 = arith.constant 0.000000e+00 : f32
    %ge3A_440 = vector.broadcast %ge3A_439 : f32 to vector<3136x64xf32>
    %ge3A_441 = arith.cmpf oge, %add3A_438, %ge3A_440 : vector<3136x64xf32>
    %mul3A_442 = arith.constant 3.000000e-01 : f32
    %mul3A_443 = vector.broadcast %mul3A_442 : f32 to vector<3136x64xf32>
    %mul3A_444 = arith.mulf %mul3A_443, %add3A_438 : vector<3136x64xf32>
    %select_n3A_445 = arith.select %ge3A_441, %add3A_438, %mul3A_444 : vector<3136x64xi1>, vector<3136x64xf32>
    %convert_element_type3A_446 = arith.truncf %select_n3A_445 : vector<3136x64xf32> to vector<3136x64xbf16>
    %broadcast_in_dim3A_447 = arith.constant 0.000000e+00 : f32
    %broadcast_in_dim3A_448 = vector.broadcast %broadcast_in_dim3A_447 : f32 to vector<3136x64xf32>
    %get3A_449 = arith.constant 1 : index
    %get3A_450 = arith.constant 0 : index
    %get3A_451 = arith.constant 0 : index
    %get3A_452 = arith.constant 0 : index
    %get3A_453 = vector.load %arg2[%get3A_449, %get3A_450, %get3A_451, %get3A_452] : memref<3x3x128x64xbf16, #tpu.memory_space<vmem>>, vector<1x1x128x64xbf16>
    %get3A_454 = vector.shape_cast %get3A_453 : vector<1x1x128x64xbf16> to vector<128x64xbf16>
    %dot_general3A_455 = arith.constant dense<0.000000e+00> : vector<3136x64xf32>
    %dot_general3A_456 = tpu.matmul %reshape3A_46, %get3A_454, %dot_general3A_455 {dimension_numbers = #tpu.dot_dimension_numbers<[1], [0], [0], [1], [0, 0, 1, 1], [], []>, transpose_lhs_hint = false} : vector<3136x128xbf16>, vector<128x64xbf16>, vector<3136x64xf32> -> vector<3136x64xf32>
    %add3A_457 = arith.addf %broadcast_in_dim3A_448, %dot_general3A_456 : vector<3136x64xf32>
    %get3A_458 = arith.constant 1 : index
    %get3A_459 = arith.constant 2 : index
    %get3A_460 = arith.constant 0 : index
    %get3A_461 = arith.constant 0 : index
    %get3A_462 = vector.load %arg2[%get3A_458, %get3A_459, %get3A_460, %get3A_461] : memref<3x3x128x64xbf16, #tpu.memory_space<vmem>>, vector<1x1x128x64xbf16>
    %get3A_463 = vector.shape_cast %get3A_462 : vector<1x1x128x64xbf16> to vector<128x64xbf16>
    %dot_general3A_464 = arith.constant dense<0.000000e+00> : vector<3136x64xf32>
    %dot_general3A_465 = tpu.matmul %reshape3A_55, %get3A_463, %dot_general3A_464 {dimension_numbers = #tpu.dot_dimension_numbers<[1], [0], [0], [1], [0, 0, 1, 1], [], []>, transpose_lhs_hint = false} : vector<3136x128xbf16>, vector<128x64xbf16>, vector<3136x64xf32> -> vector<3136x64xf32>
    %add3A_466 = arith.addf %add3A_457, %dot_general3A_465 : vector<3136x64xf32>
    %broadcast_in_dim3A_467 = vector.shape_cast %get3A_2 : vector<64xf32> to vector<1x64xf32>
    %add3A_468 = vector.broadcast %broadcast_in_dim3A_467 : vector<1x64xf32> to vector<3136x64xf32>
    %add3A_469 = arith.addf %add3A_466, %add3A_468 : vector<3136x64xf32>
    %ge3A_470 = arith.constant 0.000000e+00 : f32
    %ge3A_471 = vector.broadcast %ge3A_470 : f32 to vector<3136x64xf32>
    %ge3A_472 = arith.cmpf oge, %add3A_469, %ge3A_471 : vector<3136x64xf32>
    %mul3A_473 = arith.constant 3.000000e-01 : f32
    %mul3A_474 = vector.broadcast %mul3A_473 : f32 to vector<3136x64xf32>
    %mul3A_475 = arith.mulf %mul3A_474, %add3A_469 : vector<3136x64xf32>
    %select_n3A_476 = arith.select %ge3A_472, %add3A_469, %mul3A_475 : vector<3136x64xi1>, vector<3136x64xf32>
    %convert_element_type3A_477 = arith.truncf %select_n3A_476 : vector<3136x64xf32> to vector<3136x64xbf16>
    %broadcast_in_dim3A_478 = arith.constant 0.000000e+00 : f32
    %broadcast_in_dim3A_479 = vector.broadcast %broadcast_in_dim3A_478 : f32 to vector<3136x64xf32>
    %get3A_480 = arith.constant 1 : index
    %get3A_481 = arith.constant 0 : index
    %get3A_482 = arith.constant 0 : index
    %get3A_483 = arith.constant 0 : index
    %get3A_484 = vector.load %arg2[%get3A_480, %get3A_481, %get3A_482, %get3A_483] : memref<3x3x128x64xbf16, #tpu.memory_space<vmem>>, vector<1x1x128x64xbf16>
    %get3A_485 = vector.shape_cast %get3A_484 : vector<1x1x128x64xbf16> to vector<128x64xbf16>
    %dot_general3A_486 = arith.constant dense<0.000000e+00> : vector<3136x64xf32>
    %dot_general3A_487 = tpu.matmul %reshape3A_64, %get3A_485, %dot_general3A_486 {dimension_numbers = #tpu.dot_dimension_numbers<[1], [0], [0], [1], [0, 0, 1, 1], [], []>, transpose_lhs_hint = false} : vector<3136x128xbf16>, vector<128x64xbf16>, vector<3136x64xf32> -> vector<3136x64xf32>
    %add3A_488 = arith.addf %broadcast_in_dim3A_479, %dot_general3A_487 : vector<3136x64xf32>
    %get3A_489 = arith.constant 1 : index
    %get3A_490 = arith.constant 2 : index
    %get3A_491 = arith.constant 0 : index
    %get3A_492 = arith.constant 0 : index
    %get3A_493 = vector.load %arg2[%get3A_489, %get3A_490, %get3A_491, %get3A_492] : memref<3x3x128x64xbf16, #tpu.memory_space<vmem>>, vector<1x1x128x64xbf16>
    %get3A_494 = vector.shape_cast %get3A_493 : vector<1x1x128x64xbf16> to vector<128x64xbf16>
    %dot_general3A_495 = arith.constant dense<0.000000e+00> : vector<3136x64xf32>
    %dot_general3A_496 = tpu.matmul %reshape3A_73, %get3A_494, %dot_general3A_495 {dimension_numbers = #tpu.dot_dimension_numbers<[1], [0], [0], [1], [0, 0, 1, 1], [], []>, transpose_lhs_hint = false} : vector<3136x128xbf16>, vector<128x64xbf16>, vector<3136x64xf32> -> vector<3136x64xf32>
    %add3A_497 = arith.addf %add3A_488, %dot_general3A_496 : vector<3136x64xf32>
    %broadcast_in_dim3A_498 = vector.shape_cast %get3A_2 : vector<64xf32> to vector<1x64xf32>
    %add3A_499 = vector.broadcast %broadcast_in_dim3A_498 : vector<1x64xf32> to vector<3136x64xf32>
    %add3A_500 = arith.addf %add3A_497, %add3A_499 : vector<3136x64xf32>
    %ge3A_501 = arith.constant 0.000000e+00 : f32
    %ge3A_502 = vector.broadcast %ge3A_501 : f32 to vector<3136x64xf32>
    %ge3A_503 = arith.cmpf oge, %add3A_500, %ge3A_502 : vector<3136x64xf32>
    %mul3A_504 = arith.constant 3.000000e-01 : f32
    %mul3A_505 = vector.broadcast %mul3A_504 : f32 to vector<3136x64xf32>
    %mul3A_506 = arith.mulf %mul3A_505, %add3A_500 : vector<3136x64xf32>
    %select_n3A_507 = arith.select %ge3A_503, %add3A_500, %mul3A_506 : vector<3136x64xi1>, vector<3136x64xf32>
    %convert_element_type3A_508 = arith.truncf %select_n3A_507 : vector<3136x64xf32> to vector<3136x64xbf16>
    %broadcast_in_dim3A_509 = arith.constant 0.000000e+00 : f32
    %broadcast_in_dim3A_510 = vector.broadcast %broadcast_in_dim3A_509 : f32 to vector<3136x64xf32>
    %get3A_511 = arith.constant 1 : index
    %get3A_512 = arith.constant 0 : index
    %get3A_513 = arith.constant 0 : index
    %get3A_514 = arith.constant 0 : index
    %get3A_515 = vector.load %arg2[%get3A_511, %get3A_512, %get3A_513, %get3A_514] : memref<3x3x128x64xbf16, #tpu.memory_space<vmem>>, vector<1x1x128x64xbf16>
    %get3A_516 = vector.shape_cast %get3A_515 : vector<1x1x128x64xbf16> to vector<128x64xbf16>
    %dot_general3A_517 = arith.constant dense<0.000000e+00> : vector<3136x64xf32>
    %dot_general3A_518 = tpu.matmul %reshape3A_73, %get3A_516, %dot_general3A_517 {dimension_numbers = #tpu.dot_dimension_numbers<[1], [0], [0], [1], [0, 0, 1, 1], [], []>, transpose_lhs_hint = false} : vector<3136x128xbf16>, vector<128x64xbf16>, vector<3136x64xf32> -> vector<3136x64xf32>
    %add3A_519 = arith.addf %broadcast_in_dim3A_510, %dot_general3A_518 : vector<3136x64xf32>
    %get3A_520 = arith.constant 1 : index
    %get3A_521 = arith.constant 2 : index
    %get3A_522 = arith.constant 0 : index
    %get3A_523 = arith.constant 0 : index
    %get3A_524 = vector.load %arg2[%get3A_520, %get3A_521, %get3A_522, %get3A_523] : memref<3x3x128x64xbf16, #tpu.memory_space<vmem>>, vector<1x1x128x64xbf16>
    %get3A_525 = vector.shape_cast %get3A_524 : vector<1x1x128x64xbf16> to vector<128x64xbf16>
    %dot_general3A_526 = arith.constant dense<0.000000e+00> : vector<3136x64xf32>
    %dot_general3A_527 = tpu.matmul %reshape3A_82, %get3A_525, %dot_general3A_526 {dimension_numbers = #tpu.dot_dimension_numbers<[1], [0], [0], [1], [0, 0, 1, 1], [], []>, transpose_lhs_hint = false} : vector<3136x128xbf16>, vector<128x64xbf16>, vector<3136x64xf32> -> vector<3136x64xf32>
    %add3A_528 = arith.addf %add3A_519, %dot_general3A_527 : vector<3136x64xf32>
    %broadcast_in_dim3A_529 = vector.shape_cast %get3A_2 : vector<64xf32> to vector<1x64xf32>
    %add3A_530 = vector.broadcast %broadcast_in_dim3A_529 : vector<1x64xf32> to vector<3136x64xf32>
    %add3A_531 = arith.addf %add3A_528, %add3A_530 : vector<3136x64xf32>
    %ge3A_532 = arith.constant 0.000000e+00 : f32
    %ge3A_533 = vector.broadcast %ge3A_532 : f32 to vector<3136x64xf32>
    %ge3A_534 = arith.cmpf oge, %add3A_531, %ge3A_533 : vector<3136x64xf32>
    %mul3A_535 = arith.constant 3.000000e-01 : f32
    %mul3A_536 = vector.broadcast %mul3A_535 : f32 to vector<3136x64xf32>
    %mul3A_537 = arith.mulf %mul3A_536, %add3A_531 : vector<3136x64xf32>
    %select_n3A_538 = arith.select %ge3A_534, %add3A_531, %mul3A_537 : vector<3136x64xi1>, vector<3136x64xf32>
    %convert_element_type3A_539 = arith.truncf %select_n3A_538 : vector<3136x64xf32> to vector<3136x64xbf16>
    %concatenate3A_540 = tpu.concatenate %convert_element_type3A_446, %convert_element_type3A_477, %convert_element_type3A_508, %convert_element_type3A_539 in 1 : vector<3136x64xbf16>, vector<3136x64xbf16>, vector<3136x64xbf16>, vector<3136x64xbf16> -> vector<3136x256xbf16>
    %reshape3A_541 = vector.shape_cast %concatenate3A_540 : vector<3136x256xbf16> to vector<56x56x256xbf16>
    %swap3A_542 = arith.constant 0 : index
    %swap3A_543 = arith.constant 1 : index
    %swap3A_544 = arith.constant 0 : index
    %swap3A_545 = arith.constant 0 : index
    %swap3A_546 = arith.constant 0 : index
    %swap3A_547 = arith.constant 0 : index
    %swap3A_548 = vector.load %arg4[%swap3A_542, %swap3A_543, %swap3A_544, %swap3A_545, %swap3A_546, %swap3A_547] : memref<1x2x2x56x56x256xbf16, #tpu.memory_space<vmem>>, vector<1x1x1x56x56x256xbf16>
    %swap3A_549 = vector.shape_cast %swap3A_548 : vector<1x1x1x56x56x256xbf16> to vector<56x56x256xbf16>
    %swap3A_550 = vector.shape_cast %reshape3A_541 : vector<56x56x256xbf16> to vector<1x1x1x56x56x256xbf16>
    tpu.vector_store %arg4[%swap3A_542, %swap3A_543, %swap3A_544, %swap3A_545, %swap3A_546, %swap3A_547], %swap3A_550 {strides = array<i32>} : memref<1x2x2x56x56x256xbf16, #tpu.memory_space<vmem>>, vector<1x1x1x56x56x256xbf16>,
    %broadcast_in_dim3A_551 = arith.constant 0.000000e+00 : f32
    %broadcast_in_dim3A_552 = vector.broadcast %broadcast_in_dim3A_551 : f32 to vector<3136x64xf32>
    %get3A_553 = arith.constant 1 : index
    %get3A_554 = arith.constant 1 : index
    %get3A_555 = arith.constant 0 : index
    %get3A_556 = arith.constant 0 : index
    %get3A_557 = vector.load %arg2[%get3A_553, %get3A_554, %get3A_555, %get3A_556] : memref<3x3x128x64xbf16, #tpu.memory_space<vmem>>, vector<1x1x128x64xbf16>
    %get3A_558 = vector.shape_cast %get3A_557 : vector<1x1x128x64xbf16> to vector<128x64xbf16>
    %dot_general3A_559 = arith.constant dense<0.000000e+00> : vector<3136x64xf32>
    %dot_general3A_560 = tpu.matmul %reshape3A_46, %get3A_558, %dot_general3A_559 {dimension_numbers = #tpu.dot_dimension_numbers<[1], [0], [0], [1], [0, 0, 1, 1], [], []>, transpose_lhs_hint = false} : vector<3136x128xbf16>, vector<128x64xbf16>, vector<3136x64xf32> -> vector<3136x64xf32>
    %add3A_561 = arith.addf %broadcast_in_dim3A_552, %dot_general3A_560 : vector<3136x64xf32>
    %broadcast_in_dim3A_562 = vector.shape_cast %get3A_2 : vector<64xf32> to vector<1x64xf32>
    %add3A_563 = vector.broadcast %broadcast_in_dim3A_562 : vector<1x64xf32> to vector<3136x64xf32>
    %add3A_564 = arith.addf %add3A_561, %add3A_563 : vector<3136x64xf32>
    %ge3A_565 = arith.constant 0.000000e+00 : f32
    %ge3A_566 = vector.broadcast %ge3A_565 : f32 to vector<3136x64xf32>
    %ge3A_567 = arith.cmpf oge, %add3A_564, %ge3A_566 : vector<3136x64xf32>
    %mul3A_568 = arith.constant 3.000000e-01 : f32
    %mul3A_569 = vector.broadcast %mul3A_568 : f32 to vector<3136x64xf32>
    %mul3A_570 = arith.mulf %mul3A_569, %add3A_564 : vector<3136x64xf32>
    %select_n3A_571 = arith.select %ge3A_567, %add3A_564, %mul3A_570 : vector<3136x64xi1>, vector<3136x64xf32>
    %convert_element_type3A_572 = arith.truncf %select_n3A_571 : vector<3136x64xf32> to vector<3136x64xbf16>
    %broadcast_in_dim3A_573 = arith.constant 0.000000e+00 : f32
    %broadcast_in_dim3A_574 = vector.broadcast %broadcast_in_dim3A_573 : f32 to vector<3136x64xf32>
    %get3A_575 = arith.constant 1 : index
    %get3A_576 = arith.constant 1 : index
    %get3A_577 = arith.constant 0 : index
    %get3A_578 = arith.constant 0 : index
    %get3A_579 = vector.load %arg2[%get3A_575, %get3A_576, %get3A_577, %get3A_578] : memref<3x3x128x64xbf16, #tpu.memory_space<vmem>>, vector<1x1x128x64xbf16>
    %get3A_580 = vector.shape_cast %get3A_579 : vector<1x1x128x64xbf16> to vector<128x64xbf16>
    %dot_general3A_581 = arith.constant dense<0.000000e+00> : vector<3136x64xf32>
    %dot_general3A_582 = tpu.matmul %reshape3A_55, %get3A_580, %dot_general3A_581 {dimension_numbers = #tpu.dot_dimension_numbers<[1], [0], [0], [1], [0, 0, 1, 1], [], []>, transpose_lhs_hint = false} : vector<3136x128xbf16>, vector<128x64xbf16>, vector<3136x64xf32> -> vector<3136x64xf32>
    %add3A_583 = arith.addf %broadcast_in_dim3A_574, %dot_general3A_582 : vector<3136x64xf32>
    %broadcast_in_dim3A_584 = vector.shape_cast %get3A_2 : vector<64xf32> to vector<1x64xf32>
    %add3A_585 = vector.broadcast %broadcast_in_dim3A_584 : vector<1x64xf32> to vector<3136x64xf32>
    %add3A_586 = arith.addf %add3A_583, %add3A_585 : vector<3136x64xf32>
    %ge3A_587 = arith.constant 0.000000e+00 : f32
    %ge3A_588 = vector.broadcast %ge3A_587 : f32 to vector<3136x64xf32>
    %ge3A_589 = arith.cmpf oge, %add3A_586, %ge3A_588 : vector<3136x64xf32>
    %mul3A_590 = arith.constant 3.000000e-01 : f32
    %mul3A_591 = vector.broadcast %mul3A_590 : f32 to vector<3136x64xf32>
    %mul3A_592 = arith.mulf %mul3A_591, %add3A_586 : vector<3136x64xf32>
    %select_n3A_593 = arith.select %ge3A_589, %add3A_586, %mul3A_592 : vector<3136x64xi1>, vector<3136x64xf32>
    %convert_element_type3A_594 = arith.truncf %select_n3A_593 : vector<3136x64xf32> to vector<3136x64xbf16>
    %broadcast_in_dim3A_595 = arith.constant 0.000000e+00 : f32
    %broadcast_in_dim3A_596 = vector.broadcast %broadcast_in_dim3A_595 : f32 to vector<3136x64xf32>
    %get3A_597 = arith.constant 1 : index
    %get3A_598 = arith.constant 1 : index
    %get3A_599 = arith.constant 0 : index
    %get3A_600 = arith.constant 0 : index
    %get3A_601 = vector.load %arg2[%get3A_597, %get3A_598, %get3A_599, %get3A_600] : memref<3x3x128x64xbf16, #tpu.memory_space<vmem>>, vector<1x1x128x64xbf16>
    %get3A_602 = vector.shape_cast %get3A_601 : vector<1x1x128x64xbf16> to vector<128x64xbf16>
    %dot_general3A_603 = arith.constant dense<0.000000e+00> : vector<3136x64xf32>
    %dot_general3A_604 = tpu.matmul %reshape3A_73, %get3A_602, %dot_general3A_603 {dimension_numbers = #tpu.dot_dimension_numbers<[1], [0], [0], [1], [0, 0, 1, 1], [], []>, transpose_lhs_hint = false} : vector<3136x128xbf16>, vector<128x64xbf16>, vector<3136x64xf32> -> vector<3136x64xf32>
    %add3A_605 = arith.addf %broadcast_in_dim3A_596, %dot_general3A_604 : vector<3136x64xf32>
    %broadcast_in_dim3A_606 = vector.shape_cast %get3A_2 : vector<64xf32> to vector<1x64xf32>
    %add3A_607 = vector.broadcast %broadcast_in_dim3A_606 : vector<1x64xf32> to vector<3136x64xf32>
    %add3A_608 = arith.addf %add3A_605, %add3A_607 : vector<3136x64xf32>
    %ge3A_609 = arith.constant 0.000000e+00 : f32
    %ge3A_610 = vector.broadcast %ge3A_609 : f32 to vector<3136x64xf32>
    %ge3A_611 = arith.cmpf oge, %add3A_608, %ge3A_610 : vector<3136x64xf32>
    %mul3A_612 = arith.constant 3.000000e-01 : f32
    %mul3A_613 = vector.broadcast %mul3A_612 : f32 to vector<3136x64xf32>
    %mul3A_614 = arith.mulf %mul3A_613, %add3A_608 : vector<3136x64xf32>
    %select_n3A_615 = arith.select %ge3A_611, %add3A_608, %mul3A_614 : vector<3136x64xi1>, vector<3136x64xf32>
    %convert_element_type3A_616 = arith.truncf %select_n3A_615 : vector<3136x64xf32> to vector<3136x64xbf16>
    %broadcast_in_dim3A_617 = arith.constant 0.000000e+00 : f32
    %broadcast_in_dim3A_618 = vector.broadcast %broadcast_in_dim3A_617 : f32 to vector<3136x64xf32>
    %get3A_619 = arith.constant 1 : index
    %get3A_620 = arith.constant 1 : index
    %get3A_621 = arith.constant 0 : index
    %get3A_622 = arith.constant 0 : index
    %get3A_623 = vector.load %arg2[%get3A_619, %get3A_620, %get3A_621, %get3A_622] : memref<3x3x128x64xbf16, #tpu.memory_space<vmem>>, vector<1x1x128x64xbf16>
    %get3A_624 = vector.shape_cast %get3A_623 : vector<1x1x128x64xbf16> to vector<128x64xbf16>
    %dot_general3A_625 = arith.constant dense<0.000000e+00> : vector<3136x64xf32>
    %dot_general3A_626 = tpu.matmul %reshape3A_82, %get3A_624, %dot_general3A_625 {dimension_numbers = #tpu.dot_dimension_numbers<[1], [0], [0], [1], [0, 0, 1, 1], [], []>, transpose_lhs_hint = false} : vector<3136x128xbf16>, vector<128x64xbf16>, vector<3136x64xf32> -> vector<3136x64xf32>
    %add3A_627 = arith.addf %broadcast_in_dim3A_618, %dot_general3A_626 : vector<3136x64xf32>
    %broadcast_in_dim3A_628 = vector.shape_cast %get3A_2 : vector<64xf32> to vector<1x64xf32>
    %add3A_629 = vector.broadcast %broadcast_in_dim3A_628 : vector<1x64xf32> to vector<3136x64xf32>
    %add3A_630 = arith.addf %add3A_627, %add3A_629 : vector<3136x64xf32>
    %ge3A_631 = arith.constant 0.000000e+00 : f32
    %ge3A_632 = vector.broadcast %ge3A_631 : f32 to vector<3136x64xf32>
    %ge3A_633 = arith.cmpf oge, %add3A_630, %ge3A_632 : vector<3136x64xf32>
    %mul3A_634 = arith.constant 3.000000e-01 : f32
    %mul3A_635 = vector.broadcast %mul3A_634 : f32 to vector<3136x64xf32>
    %mul3A_636 = arith.mulf %mul3A_635, %add3A_630 : vector<3136x64xf32>
    %select_n3A_637 = arith.select %ge3A_633, %add3A_630, %mul3A_636 : vector<3136x64xi1>, vector<3136x64xf32>
    %convert_element_type3A_638 = arith.truncf %select_n3A_637 : vector<3136x64xf32> to vector<3136x64xbf16>
    %concatenate3A_639 = tpu.concatenate %convert_element_type3A_572, %convert_element_type3A_594, %convert_element_type3A_616, %convert_element_type3A_638 in 1 : vector<3136x64xbf16>, vector<3136x64xbf16>, vector<3136x64xbf16>, vector<3136x64xbf16> -> vector<3136x256xbf16>
    %reshape3A_640 = vector.shape_cast %concatenate3A_639 : vector<3136x256xbf16> to vector<56x56x256xbf16>
    %swap3A_641 = arith.constant 0 : index
    %swap3A_642 = arith.constant 1 : index
    %swap3A_643 = arith.constant 1 : index
    %swap3A_644 = arith.constant 0 : index
    %swap3A_645 = arith.constant 0 : index
    %swap3A_646 = arith.constant 0 : index
    %swap3A_647 = vector.load %arg4[%swap3A_641, %swap3A_642, %swap3A_643, %swap3A_644, %swap3A_645, %swap3A_646] : memref<1x2x2x56x56x256xbf16, #tpu.memory_space<vmem>>, vector<1x1x1x56x56x256xbf16>
    %swap3A_648 = vector.shape_cast %swap3A_647 : vector<1x1x1x56x56x256xbf16> to vector<56x56x256xbf16>
    %swap3A_649 = vector.shape_cast %reshape3A_640 : vector<56x56x256xbf16> to vector<1x1x1x56x56x256xbf16>
    tpu.vector_store %arg4[%swap3A_641, %swap3A_642, %swap3A_643, %swap3A_644, %swap3A_645, %swap3A_646], %swap3A_649 {strides = array<i32>} : memref<1x2x2x56x56x256xbf16, #tpu.memory_space<vmem>>, vector<1x1x1x56x56x256xbf16>,
    return
  }
  func.func @transform_0(%arg0: i32) -> (i32, i32, i32, i32, i32, i32) {
    %c0_i32 = arith.constant 0 : i32
    %c0_i32_0 = arith.constant 0 : i32
    %c0_i32_1 = arith.constant 0 : i32
    %c0_i32_2 = arith.constant 0 : i32
    %c0_i32_3 = arith.constant 0 : i32
    %c0_i32_4 = arith.constant 0 : i32
    return %arg0, %c0_i32, %c0_i32_0, %c0_i32_1, %c0_i32_2, %c0_i32_3 : i32, i32, i32, i32, i32, i32
  }
  func.func @transform_1(%arg0: i32) -> (i32, i32, i32, i32) {
    %c0_i32 = arith.constant 0 : i32
    %c0_i32_0 = arith.constant 0 : i32
    %c0_i32_1 = arith.constant 0 : i32
    %c0_i32_2 = arith.constant 0 : i32
    %c0_i32_3 = arith.constant 0 : i32
    return %c0_i32, %c0_i32_0, %c0_i32_1, %c0_i32_2 : i32, i32, i32, i32
  }
  func.func @transform_2(%arg0: i32) -> (i32, i32) {
    %c0_i32 = arith.constant 0 : i32
    %c0_i32_0 = arith.constant 0 : i32
    %c0_i32_1 = arith.constant 0 : i32
    return %c0_i32, %c0_i32_0 : i32, i32
  }
  func.func @transform_3(%arg0: i32) -> (i32, i32, i32, i32, i32, i32) {
    %c0_i32 = arith.constant 0 : i32
    %c0_i32_0 = arith.constant 0 : i32
    %c0_i32_1 = arith.constant 0 : i32
    %c0_i32_2 = arith.constant 0 : i32
    %c0_i32_3 = arith.constant 0 : i32
    %c0_i32_4 = arith.constant 0 : i32
    return %arg0, %c0_i32, %c0_i32_0, %c0_i32_1, %c0_i32_2, %c0_i32_3 : i32, i32, i32, i32, i32, i32
  }
}

module attributes {stable_mosaic.version = 14 : i64} {
  func.func @_dec3_body(%arg0: i32, %arg1: memref<1x2x2x58x58x256xbf16, #tpu.memory_space<vmem>>, %arg2: memref<2x2x3x3x256x16xbf16, #tpu.memory_space<vmem>>, %arg3: memref<1x1xf32, #tpu.memory_space<vmem>>, %arg4: memref<1x56x56x16xf32, #tpu.memory_space<vmem>>) attributes {dimension_semantics = [#tpu.dimension_semantics<arbitrary>], iteration_bounds = array<i64: 8>, scalar_prefetch = 0 : i64, scratch_operands = 0 : i64, tpu.core_type = #tpu.core_type<tc>, window_params = [{transform_indices = @transform_0, window_bounds = array<i64: 1, 2, 2, 58, 58, 256>}, {pipeline_mode = #tpu.pipeline_mode<synchronous>, transform_indices = @transform_1, window_bounds = array<i64: 2, 2, 3, 3, 256, 16>}, {pipeline_mode = #tpu.pipeline_mode<synchronous>, transform_indices = @transform_2, window_bounds = array<i64: 1, 1>}, {transform_indices = @transform_3, window_bounds = array<i64: 1, 56, 56, 16>}]} {
    %broadcast_in_dim3A = arith.constant 0.000000e+00 : f32
    %broadcast_in_dim3A_0 = vector.broadcast %broadcast_in_dim3A : f32 to vector<3136x16xf32>
    %get3A = arith.constant 0 : index
    %get3A_1 = arith.constant 1 : index
    %get3A_2 = arith.constant 1 : index
    %get3A_3 = arith.constant 0 : index
    %get3A_4 = arith.constant 0 : index
    %get3A_5 = arith.constant 0 : index
    %get3A_6 = vector.load %arg1[%get3A, %get3A_1, %get3A_2, %get3A_3, %get3A_4, %get3A_5] : memref<1x2x2x58x58x256xbf16, #tpu.memory_space<vmem>>, vector<1x1x1x56x56x256xbf16>
    %get3A_7 = vector.shape_cast %get3A_6 : vector<1x1x1x56x56x256xbf16> to vector<56x56x256xbf16>
    %reshape3A = vector.shape_cast %get3A_7 : vector<56x56x256xbf16> to vector<3136x256xbf16>
    %get3A_8 = arith.constant 1 : index
    %get3A_9 = arith.constant 1 : index
    %get3A_10 = arith.constant 0 : index
    %get3A_11 = arith.constant 0 : index
    %get3A_12 = arith.constant 0 : index
    %get3A_13 = arith.constant 0 : index
    %get3A_14 = vector.load %arg2[%get3A_8, %get3A_9, %get3A_10, %get3A_11, %get3A_12, %get3A_13] : memref<2x2x3x3x256x16xbf16, #tpu.memory_space<vmem>>, vector<1x1x1x1x256x16xbf16>
    %get3A_15 = vector.shape_cast %get3A_14 : vector<1x1x1x1x256x16xbf16> to vector<256x16xbf16>
    %dot_general3A = arith.constant dense<0.000000e+00> : vector<3136x16xf32>
    %dot_general3A_16 = tpu.matmul %reshape3A, %get3A_15, %dot_general3A {dimension_numbers = #tpu.dot_dimension_numbers<[1], [0], [0], [1], [0, 0, 1, 1], [], []>, transpose_lhs_hint = false} : vector<3136x256xbf16>, vector<256x16xbf16>, vector<3136x16xf32> -> vector<3136x16xf32>
    %add3A = arith.addf %broadcast_in_dim3A_0, %dot_general3A_16 : vector<3136x16xf32>
    %get3A_17 = arith.constant 0 : index
    %get3A_18 = arith.constant 1 : index
    %get3A_19 = arith.constant 1 : index
    %get3A_20 = arith.constant 0 : index
    %get3A_21 = arith.constant 1 : index
    %get3A_22 = arith.constant 0 : index
    %get3A_23 = vector.load %arg1[%get3A_17, %get3A_18, %get3A_19, %get3A_20, %get3A_21, %get3A_22] : memref<1x2x2x58x58x256xbf16, #tpu.memory_space<vmem>>, vector<1x1x1x56x56x256xbf16>
    %get3A_24 = vector.shape_cast %get3A_23 : vector<1x1x1x56x56x256xbf16> to vector<56x56x256xbf16>
    %reshape3A_25 = vector.shape_cast %get3A_24 : vector<56x56x256xbf16> to vector<3136x256xbf16>
    %get3A_26 = arith.constant 1 : index
    %get3A_27 = arith.constant 1 : index
    %get3A_28 = arith.constant 0 : index
    %get3A_29 = arith.constant 1 : index
    %get3A_30 = arith.constant 0 : index
    %get3A_31 = arith.constant 0 : index
    %get3A_32 = vector.load %arg2[%get3A_26, %get3A_27, %get3A_28, %get3A_29, %get3A_30, %get3A_31] : memref<2x2x3x3x256x16xbf16, #tpu.memory_space<vmem>>, vector<1x1x1x1x256x16xbf16>
    %get3A_33 = vector.shape_cast %get3A_32 : vector<1x1x1x1x256x16xbf16> to vector<256x16xbf16>
    %dot_general3A_34 = arith.constant dense<0.000000e+00> : vector<3136x16xf32>
    %dot_general3A_35 = tpu.matmul %reshape3A_25, %get3A_33, %dot_general3A_34 {dimension_numbers = #tpu.dot_dimension_numbers<[1], [0], [0], [1], [0, 0, 1, 1], [], []>, transpose_lhs_hint = false} : vector<3136x256xbf16>, vector<256x16xbf16>, vector<3136x16xf32> -> vector<3136x16xf32>
    %add3A_36 = arith.addf %add3A, %dot_general3A_35 : vector<3136x16xf32>
    %get3A_37 = arith.constant 0 : index
    %get3A_38 = arith.constant 1 : index
    %get3A_39 = arith.constant 0 : index
    %get3A_40 = arith.constant 0 : index
    %get3A_41 = arith.constant 1 : index
    %get3A_42 = arith.constant 0 : index
    %get3A_43 = vector.load %arg1[%get3A_37, %get3A_38, %get3A_39, %get3A_40, %get3A_41, %get3A_42] : memref<1x2x2x58x58x256xbf16, #tpu.memory_space<vmem>>, vector<1x1x1x56x56x256xbf16>
    %get3A_44 = vector.shape_cast %get3A_43 : vector<1x1x1x56x56x256xbf16> to vector<56x56x256xbf16>
    %reshape3A_45 = vector.shape_cast %get3A_44 : vector<56x56x256xbf16> to vector<3136x256xbf16>
    %get3A_46 = arith.constant 1 : index
    %get3A_47 = arith.constant 0 : index
    %get3A_48 = arith.constant 0 : index
    %get3A_49 = arith.constant 1 : index
    %get3A_50 = arith.constant 0 : index
    %get3A_51 = arith.constant 0 : index
    %get3A_52 = vector.load %arg2[%get3A_46, %get3A_47, %get3A_48, %get3A_49, %get3A_50, %get3A_51] : memref<2x2x3x3x256x16xbf16, #tpu.memory_space<vmem>>, vector<1x1x1x1x256x16xbf16>
    %get3A_53 = vector.shape_cast %get3A_52 : vector<1x1x1x1x256x16xbf16> to vector<256x16xbf16>
    %dot_general3A_54 = arith.constant dense<0.000000e+00> : vector<3136x16xf32>
    %dot_general3A_55 = tpu.matmul %reshape3A_45, %get3A_53, %dot_general3A_54 {dimension_numbers = #tpu.dot_dimension_numbers<[1], [0], [0], [1], [0, 0, 1, 1], [], []>, transpose_lhs_hint = false} : vector<3136x256xbf16>, vector<256x16xbf16>, vector<3136x16xf32> -> vector<3136x16xf32>
    %add3A_56 = arith.addf %add3A_36, %dot_general3A_55 : vector<3136x16xf32>
    %get3A_57 = arith.constant 0 : index
    %get3A_58 = arith.constant 1 : index
    %get3A_59 = arith.constant 0 : index
    %get3A_60 = arith.constant 0 : index
    %get3A_61 = arith.constant 2 : index
    %get3A_62 = arith.constant 0 : index
    %get3A_63 = vector.load %arg1[%get3A_57, %get3A_58, %get3A_59, %get3A_60, %get3A_61, %get3A_62] : memref<1x2x2x58x58x256xbf16, #tpu.memory_space<vmem>>, vector<1x1x1x56x56x256xbf16>
    %get3A_64 = vector.shape_cast %get3A_63 : vector<1x1x1x56x56x256xbf16> to vector<56x56x256xbf16>
    %reshape3A_65 = vector.shape_cast %get3A_64 : vector<56x56x256xbf16> to vector<3136x256xbf16>
    %get3A_66 = arith.constant 1 : index
    %get3A_67 = arith.constant 0 : index
    %get3A_68 = arith.constant 0 : index
    %get3A_69 = arith.constant 2 : index
    %get3A_70 = arith.constant 0 : index
    %get3A_71 = arith.constant 0 : index
    %get3A_72 = vector.load %arg2[%get3A_66, %get3A_67, %get3A_68, %get3A_69, %get3A_70, %get3A_71] : memref<2x2x3x3x256x16xbf16, #tpu.memory_space<vmem>>, vector<1x1x1x1x256x16xbf16>
    %get3A_73 = vector.shape_cast %get3A_72 : vector<1x1x1x1x256x16xbf16> to vector<256x16xbf16>
    %dot_general3A_74 = arith.constant dense<0.000000e+00> : vector<3136x16xf32>
    %dot_general3A_75 = tpu.matmul %reshape3A_65, %get3A_73, %dot_general3A_74 {dimension_numbers = #tpu.dot_dimension_numbers<[1], [0], [0], [1], [0, 0, 1, 1], [], []>, transpose_lhs_hint = false} : vector<3136x256xbf16>, vector<256x16xbf16>, vector<3136x16xf32> -> vector<3136x16xf32>
    %add3A_76 = arith.addf %add3A_56, %dot_general3A_75 : vector<3136x16xf32>
    %get3A_77 = arith.constant 0 : index
    %get3A_78 = arith.constant 1 : index
    %get3A_79 = arith.constant 1 : index
    %get3A_80 = arith.constant 1 : index
    %get3A_81 = arith.constant 0 : index
    %get3A_82 = arith.constant 0 : index
    %get3A_83 = vector.load %arg1[%get3A_77, %get3A_78, %get3A_79, %get3A_80, %get3A_81, %get3A_82] : memref<1x2x2x58x58x256xbf16, #tpu.memory_space<vmem>>, vector<1x1x1x56x56x256xbf16>
    %get3A_84 = vector.shape_cast %get3A_83 : vector<1x1x1x56x56x256xbf16> to vector<56x56x256xbf16>
    %reshape3A_85 = vector.shape_cast %get3A_84 : vector<56x56x256xbf16> to vector<3136x256xbf16>
    %get3A_86 = arith.constant 1 : index
    %get3A_87 = arith.constant 1 : index
    %get3A_88 = arith.constant 1 : index
    %get3A_89 = arith.constant 0 : index
    %get3A_90 = arith.constant 0 : index
    %get3A_91 = arith.constant 0 : index
    %get3A_92 = vector.load %arg2[%get3A_86, %get3A_87, %get3A_88, %get3A_89, %get3A_90, %get3A_91] : memref<2x2x3x3x256x16xbf16, #tpu.memory_space<vmem>>, vector<1x1x1x1x256x16xbf16>
    %get3A_93 = vector.shape_cast %get3A_92 : vector<1x1x1x1x256x16xbf16> to vector<256x16xbf16>
    %dot_general3A_94 = arith.constant dense<0.000000e+00> : vector<3136x16xf32>
    %dot_general3A_95 = tpu.matmul %reshape3A_85, %get3A_93, %dot_general3A_94 {dimension_numbers = #tpu.dot_dimension_numbers<[1], [0], [0], [1], [0, 0, 1, 1], [], []>, transpose_lhs_hint = false} : vector<3136x256xbf16>, vector<256x16xbf16>, vector<3136x16xf32> -> vector<3136x16xf32>
    %add3A_96 = arith.addf %add3A_76, %dot_general3A_95 : vector<3136x16xf32>
    %get3A_97 = arith.constant 0 : index
    %get3A_98 = arith.constant 1 : index
    %get3A_99 = arith.constant 1 : index
    %get3A_100 = arith.constant 1 : index
    %get3A_101 = arith.constant 1 : index
    %get3A_102 = arith.constant 0 : index
    %get3A_103 = vector.load %arg1[%get3A_97, %get3A_98, %get3A_99, %get3A_100, %get3A_101, %get3A_102] : memref<1x2x2x58x58x256xbf16, #tpu.memory_space<vmem>>, vector<1x1x1x56x56x256xbf16>
    %get3A_104 = vector.shape_cast %get3A_103 : vector<1x1x1x56x56x256xbf16> to vector<56x56x256xbf16>
    %reshape3A_105 = vector.shape_cast %get3A_104 : vector<56x56x256xbf16> to vector<3136x256xbf16>
    %get3A_106 = arith.constant 1 : index
    %get3A_107 = arith.constant 1 : index
    %get3A_108 = arith.constant 1 : index
    %get3A_109 = arith.constant 1 : index
    %get3A_110 = arith.constant 0 : index
    %get3A_111 = arith.constant 0 : index
    %get3A_112 = vector.load %arg2[%get3A_106, %get3A_107, %get3A_108, %get3A_109, %get3A_110, %get3A_111] : memref<2x2x3x3x256x16xbf16, #tpu.memory_space<vmem>>, vector<1x1x1x1x256x16xbf16>
    %get3A_113 = vector.shape_cast %get3A_112 : vector<1x1x1x1x256x16xbf16> to vector<256x16xbf16>
    %dot_general3A_114 = arith.constant dense<0.000000e+00> : vector<3136x16xf32>
    %dot_general3A_115 = tpu.matmul %reshape3A_105, %get3A_113, %dot_general3A_114 {dimension_numbers = #tpu.dot_dimension_numbers<[1], [0], [0], [1], [0, 0, 1, 1], [], []>, transpose_lhs_hint = false} : vector<3136x256xbf16>, vector<256x16xbf16>, vector<3136x16xf32> -> vector<3136x16xf32>
    %add3A_116 = arith.addf %add3A_96, %dot_general3A_115 : vector<3136x16xf32>
    %get3A_117 = arith.constant 0 : index
    %get3A_118 = arith.constant 1 : index
    %get3A_119 = arith.constant 0 : index
    %get3A_120 = arith.constant 1 : index
    %get3A_121 = arith.constant 1 : index
    %get3A_122 = arith.constant 0 : index
    %get3A_123 = vector.load %arg1[%get3A_117, %get3A_118, %get3A_119, %get3A_120, %get3A_121, %get3A_122] : memref<1x2x2x58x58x256xbf16, #tpu.memory_space<vmem>>, vector<1x1x1x56x56x256xbf16>
    %get3A_124 = vector.shape_cast %get3A_123 : vector<1x1x1x56x56x256xbf16> to vector<56x56x256xbf16>
    %reshape3A_125 = vector.shape_cast %get3A_124 : vector<56x56x256xbf16> to vector<3136x256xbf16>
    %get3A_126 = arith.constant 1 : index
    %get3A_127 = arith.constant 0 : index
    %get3A_128 = arith.constant 1 : index
    %get3A_129 = arith.constant 1 : index
    %get3A_130 = arith.constant 0 : index
    %get3A_131 = arith.constant 0 : index
    %get3A_132 = vector.load %arg2[%get3A_126, %get3A_127, %get3A_128, %get3A_129, %get3A_130, %get3A_131] : memref<2x2x3x3x256x16xbf16, #tpu.memory_space<vmem>>, vector<1x1x1x1x256x16xbf16>
    %get3A_133 = vector.shape_cast %get3A_132 : vector<1x1x1x1x256x16xbf16> to vector<256x16xbf16>
    %dot_general3A_134 = arith.constant dense<0.000000e+00> : vector<3136x16xf32>
    %dot_general3A_135 = tpu.matmul %reshape3A_125, %get3A_133, %dot_general3A_134 {dimension_numbers = #tpu.dot_dimension_numbers<[1], [0], [0], [1], [0, 0, 1, 1], [], []>, transpose_lhs_hint = false} : vector<3136x256xbf16>, vector<256x16xbf16>, vector<3136x16xf32> -> vector<3136x16xf32>
    %add3A_136 = arith.addf %add3A_116, %dot_general3A_135 : vector<3136x16xf32>
    %get3A_137 = arith.constant 0 : index
    %get3A_138 = arith.constant 1 : index
    %get3A_139 = arith.constant 0 : index
    %get3A_140 = arith.constant 1 : index
    %get3A_141 = arith.constant 2 : index
    %get3A_142 = arith.constant 0 : index
    %get3A_143 = vector.load %arg1[%get3A_137, %get3A_138, %get3A_139, %get3A_140, %get3A_141, %get3A_142] : memref<1x2x2x58x58x256xbf16, #tpu.memory_space<vmem>>, vector<1x1x1x56x56x256xbf16>
    %get3A_144 = vector.shape_cast %get3A_143 : vector<1x1x1x56x56x256xbf16> to vector<56x56x256xbf16>
    %reshape3A_145 = vector.shape_cast %get3A_144 : vector<56x56x256xbf16> to vector<3136x256xbf16>
    %get3A_146 = arith.constant 1 : index
    %get3A_147 = arith.constant 0 : index
    %get3A_148 = arith.constant 1 : index
    %get3A_149 = arith.constant 2 : index
    %get3A_150 = arith.constant 0 : index
    %get3A_151 = arith.constant 0 : index
    %get3A_152 = vector.load %arg2[%get3A_146, %get3A_147, %get3A_148, %get3A_149, %get3A_150, %get3A_151] : memref<2x2x3x3x256x16xbf16, #tpu.memory_space<vmem>>, vector<1x1x1x1x256x16xbf16>
    %get3A_153 = vector.shape_cast %get3A_152 : vector<1x1x1x1x256x16xbf16> to vector<256x16xbf16>
    %dot_general3A_154 = arith.constant dense<0.000000e+00> : vector<3136x16xf32>
    %dot_general3A_155 = tpu.matmul %reshape3A_145, %get3A_153, %dot_general3A_154 {dimension_numbers = #tpu.dot_dimension_numbers<[1], [0], [0], [1], [0, 0, 1, 1], [], []>, transpose_lhs_hint = false} : vector<3136x256xbf16>, vector<256x16xbf16>, vector<3136x16xf32> -> vector<3136x16xf32>
    %add3A_156 = arith.addf %add3A_136, %dot_general3A_155 : vector<3136x16xf32>
    %get3A_157 = arith.constant 0 : index
    %get3A_158 = arith.constant 0 : index
    %get3A_159 = arith.constant 1 : index
    %get3A_160 = arith.constant 1 : index
    %get3A_161 = arith.constant 0 : index
    %get3A_162 = arith.constant 0 : index
    %get3A_163 = vector.load %arg1[%get3A_157, %get3A_158, %get3A_159, %get3A_160, %get3A_161, %get3A_162] : memref<1x2x2x58x58x256xbf16, #tpu.memory_space<vmem>>, vector<1x1x1x56x56x256xbf16>
    %get3A_164 = vector.shape_cast %get3A_163 : vector<1x1x1x56x56x256xbf16> to vector<56x56x256xbf16>
    %reshape3A_165 = vector.shape_cast %get3A_164 : vector<56x56x256xbf16> to vector<3136x256xbf16>
    %get3A_166 = arith.constant 0 : index
    %get3A_167 = arith.constant 1 : index
    %get3A_168 = arith.constant 1 : index
    %get3A_169 = arith.constant 0 : index
    %get3A_170 = arith.constant 0 : index
    %get3A_171 = arith.constant 0 : index
    %get3A_172 = vector.load %arg2[%get3A_166, %get3A_167, %get3A_168, %get3A_169, %get3A_170, %get3A_171] : memref<2x2x3x3x256x16xbf16, #tpu.memory_space<vmem>>, vector<1x1x1x1x256x16xbf16>
    %get3A_173 = vector.shape_cast %get3A_172 : vector<1x1x1x1x256x16xbf16> to vector<256x16xbf16>
    %dot_general3A_174 = arith.constant dense<0.000000e+00> : vector<3136x16xf32>
    %dot_general3A_175 = tpu.matmul %reshape3A_165, %get3A_173, %dot_general3A_174 {dimension_numbers = #tpu.dot_dimension_numbers<[1], [0], [0], [1], [0, 0, 1, 1], [], []>, transpose_lhs_hint = false} : vector<3136x256xbf16>, vector<256x16xbf16>, vector<3136x16xf32> -> vector<3136x16xf32>
    %add3A_176 = arith.addf %add3A_156, %dot_general3A_175 : vector<3136x16xf32>
    %get3A_177 = arith.constant 0 : index
    %get3A_178 = arith.constant 0 : index
    %get3A_179 = arith.constant 1 : index
    %get3A_180 = arith.constant 1 : index
    %get3A_181 = arith.constant 1 : index
    %get3A_182 = arith.constant 0 : index
    %get3A_183 = vector.load %arg1[%get3A_177, %get3A_178, %get3A_179, %get3A_180, %get3A_181, %get3A_182] : memref<1x2x2x58x58x256xbf16, #tpu.memory_space<vmem>>, vector<1x1x1x56x56x256xbf16>
    %get3A_184 = vector.shape_cast %get3A_183 : vector<1x1x1x56x56x256xbf16> to vector<56x56x256xbf16>
    %reshape3A_185 = vector.shape_cast %get3A_184 : vector<56x56x256xbf16> to vector<3136x256xbf16>
    %get3A_186 = arith.constant 0 : index
    %get3A_187 = arith.constant 1 : index
    %get3A_188 = arith.constant 1 : index
    %get3A_189 = arith.constant 1 : index
    %get3A_190 = arith.constant 0 : index
    %get3A_191 = arith.constant 0 : index
    %get3A_192 = vector.load %arg2[%get3A_186, %get3A_187, %get3A_188, %get3A_189, %get3A_190, %get3A_191] : memref<2x2x3x3x256x16xbf16, #tpu.memory_space<vmem>>, vector<1x1x1x1x256x16xbf16>
    %get3A_193 = vector.shape_cast %get3A_192 : vector<1x1x1x1x256x16xbf16> to vector<256x16xbf16>
    %dot_general3A_194 = arith.constant dense<0.000000e+00> : vector<3136x16xf32>
    %dot_general3A_195 = tpu.matmul %reshape3A_185, %get3A_193, %dot_general3A_194 {dimension_numbers = #tpu.dot_dimension_numbers<[1], [0], [0], [1], [0, 0, 1, 1], [], []>, transpose_lhs_hint = false} : vector<3136x256xbf16>, vector<256x16xbf16>, vector<3136x16xf32> -> vector<3136x16xf32>
    %add3A_196 = arith.addf %add3A_176, %dot_general3A_195 : vector<3136x16xf32>
    %get3A_197 = arith.constant 0 : index
    %get3A_198 = arith.constant 0 : index
    %get3A_199 = arith.constant 0 : index
    %get3A_200 = arith.constant 1 : index
    %get3A_201 = arith.constant 1 : index
    %get3A_202 = arith.constant 0 : index
    %get3A_203 = vector.load %arg1[%get3A_197, %get3A_198, %get3A_199, %get3A_200, %get3A_201, %get3A_202] : memref<1x2x2x58x58x256xbf16, #tpu.memory_space<vmem>>, vector<1x1x1x56x56x256xbf16>
    %get3A_204 = vector.shape_cast %get3A_203 : vector<1x1x1x56x56x256xbf16> to vector<56x56x256xbf16>
    %reshape3A_205 = vector.shape_cast %get3A_204 : vector<56x56x256xbf16> to vector<3136x256xbf16>
    %get3A_206 = arith.constant 0 : index
    %get3A_207 = arith.constant 0 : index
    %get3A_208 = arith.constant 1 : index
    %get3A_209 = arith.constant 1 : index
    %get3A_210 = arith.constant 0 : index
    %get3A_211 = arith.constant 0 : index
    %get3A_212 = vector.load %arg2[%get3A_206, %get3A_207, %get3A_208, %get3A_209, %get3A_210, %get3A_211] : memref<2x2x3x3x256x16xbf16, #tpu.memory_space<vmem>>, vector<1x1x1x1x256x16xbf16>
    %get3A_213 = vector.shape_cast %get3A_212 : vector<1x1x1x1x256x16xbf16> to vector<256x16xbf16>
    %dot_general3A_214 = arith.constant dense<0.000000e+00> : vector<3136x16xf32>
    %dot_general3A_215 = tpu.matmul %reshape3A_205, %get3A_213, %dot_general3A_214 {dimension_numbers = #tpu.dot_dimension_numbers<[1], [0], [0], [1], [0, 0, 1, 1], [], []>, transpose_lhs_hint = false} : vector<3136x256xbf16>, vector<256x16xbf16>, vector<3136x16xf32> -> vector<3136x16xf32>
    %add3A_216 = arith.addf %add3A_196, %dot_general3A_215 : vector<3136x16xf32>
    %get3A_217 = arith.constant 0 : index
    %get3A_218 = arith.constant 0 : index
    %get3A_219 = arith.constant 0 : index
    %get3A_220 = arith.constant 1 : index
    %get3A_221 = arith.constant 2 : index
    %get3A_222 = arith.constant 0 : index
    %get3A_223 = vector.load %arg1[%get3A_217, %get3A_218, %get3A_219, %get3A_220, %get3A_221, %get3A_222] : memref<1x2x2x58x58x256xbf16, #tpu.memory_space<vmem>>, vector<1x1x1x56x56x256xbf16>
    %get3A_224 = vector.shape_cast %get3A_223 : vector<1x1x1x56x56x256xbf16> to vector<56x56x256xbf16>
    %reshape3A_225 = vector.shape_cast %get3A_224 : vector<56x56x256xbf16> to vector<3136x256xbf16>
    %get3A_226 = arith.constant 0 : index
    %get3A_227 = arith.constant 0 : index
    %get3A_228 = arith.constant 1 : index
    %get3A_229 = arith.constant 2 : index
    %get3A_230 = arith.constant 0 : index
    %get3A_231 = arith.constant 0 : index
    %get3A_232 = vector.load %arg2[%get3A_226, %get3A_227, %get3A_228, %get3A_229, %get3A_230, %get3A_231] : memref<2x2x3x3x256x16xbf16, #tpu.memory_space<vmem>>, vector<1x1x1x1x256x16xbf16>
    %get3A_233 = vector.shape_cast %get3A_232 : vector<1x1x1x1x256x16xbf16> to vector<256x16xbf16>
    %dot_general3A_234 = arith.constant dense<0.000000e+00> : vector<3136x16xf32>
    %dot_general3A_235 = tpu.matmul %reshape3A_225, %get3A_233, %dot_general3A_234 {dimension_numbers = #tpu.dot_dimension_numbers<[1], [0], [0], [1], [0, 0, 1, 1], [], []>, transpose_lhs_hint = false} : vector<3136x256xbf16>, vector<256x16xbf16>, vector<3136x16xf32> -> vector<3136x16xf32>
    %add3A_236 = arith.addf %add3A_216, %dot_general3A_235 : vector<3136x16xf32>
    %get3A_237 = arith.constant 0 : index
    %get3A_238 = arith.constant 0 : index
    %get3A_239 = arith.constant 1 : index
    %get3A_240 = arith.constant 2 : index
    %get3A_241 = arith.constant 0 : index
    %get3A_242 = arith.constant 0 : index
    %get3A_243 = vector.load %arg1[%get3A_237, %get3A_238, %get3A_239, %get3A_240, %get3A_241, %get3A_242] : memref<1x2x2x58x58x256xbf16, #tpu.memory_space<vmem>>, vector<1x1x1x56x56x256xbf16>
    %get3A_244 = vector.shape_cast %get3A_243 : vector<1x1x1x56x56x256xbf16> to vector<56x56x256xbf16>
    %reshape3A_245 = vector.shape_cast %get3A_244 : vector<56x56x256xbf16> to vector<3136x256xbf16>
    %get3A_246 = arith.constant 0 : index
    %get3A_247 = arith.constant 1 : index
    %get3A_248 = arith.constant 2 : index
    %get3A_249 = arith.constant 0 : index
    %get3A_250 = arith.constant 0 : index
    %get3A_251 = arith.constant 0 : index
    %get3A_252 = vector.load %arg2[%get3A_246, %get3A_247, %get3A_248, %get3A_249, %get3A_250, %get3A_251] : memref<2x2x3x3x256x16xbf16, #tpu.memory_space<vmem>>, vector<1x1x1x1x256x16xbf16>
    %get3A_253 = vector.shape_cast %get3A_252 : vector<1x1x1x1x256x16xbf16> to vector<256x16xbf16>
    %dot_general3A_254 = arith.constant dense<0.000000e+00> : vector<3136x16xf32>
    %dot_general3A_255 = tpu.matmul %reshape3A_245, %get3A_253, %dot_general3A_254 {dimension_numbers = #tpu.dot_dimension_numbers<[1], [0], [0], [1], [0, 0, 1, 1], [], []>, transpose_lhs_hint = false} : vector<3136x256xbf16>, vector<256x16xbf16>, vector<3136x16xf32> -> vector<3136x16xf32>
    %add3A_256 = arith.addf %add3A_236, %dot_general3A_255 : vector<3136x16xf32>
    %get3A_257 = arith.constant 0 : index
    %get3A_258 = arith.constant 0 : index
    %get3A_259 = arith.constant 1 : index
    %get3A_260 = arith.constant 2 : index
    %get3A_261 = arith.constant 1 : index
    %get3A_262 = arith.constant 0 : index
    %get3A_263 = vector.load %arg1[%get3A_257, %get3A_258, %get3A_259, %get3A_260, %get3A_261, %get3A_262] : memref<1x2x2x58x58x256xbf16, #tpu.memory_space<vmem>>, vector<1x1x1x56x56x256xbf16>
    %get3A_264 = vector.shape_cast %get3A_263 : vector<1x1x1x56x56x256xbf16> to vector<56x56x256xbf16>
    %reshape3A_265 = vector.shape_cast %get3A_264 : vector<56x56x256xbf16> to vector<3136x256xbf16>
    %get3A_266 = arith.constant 0 : index
    %get3A_267 = arith.constant 1 : index
    %get3A_268 = arith.constant 2 : index
    %get3A_269 = arith.constant 1 : index
    %get3A_270 = arith.constant 0 : index
    %get3A_271 = arith.constant 0 : index
    %get3A_272 = vector.load %arg2[%get3A_266, %get3A_267, %get3A_268, %get3A_269, %get3A_270, %get3A_271] : memref<2x2x3x3x256x16xbf16, #tpu.memory_space<vmem>>, vector<1x1x1x1x256x16xbf16>
    %get3A_273 = vector.shape_cast %get3A_272 : vector<1x1x1x1x256x16xbf16> to vector<256x16xbf16>
    %dot_general3A_274 = arith.constant dense<0.000000e+00> : vector<3136x16xf32>
    %dot_general3A_275 = tpu.matmul %reshape3A_265, %get3A_273, %dot_general3A_274 {dimension_numbers = #tpu.dot_dimension_numbers<[1], [0], [0], [1], [0, 0, 1, 1], [], []>, transpose_lhs_hint = false} : vector<3136x256xbf16>, vector<256x16xbf16>, vector<3136x16xf32> -> vector<3136x16xf32>
    %add3A_276 = arith.addf %add3A_256, %dot_general3A_275 : vector<3136x16xf32>
    %get3A_277 = arith.constant 0 : index
    %get3A_278 = arith.constant 0 : index
    %get3A_279 = arith.constant 0 : index
    %get3A_280 = arith.constant 2 : index
    %get3A_281 = arith.constant 1 : index
    %get3A_282 = arith.constant 0 : index
    %get3A_283 = vector.load %arg1[%get3A_277, %get3A_278, %get3A_279, %get3A_280, %get3A_281, %get3A_282] : memref<1x2x2x58x58x256xbf16, #tpu.memory_space<vmem>>, vector<1x1x1x56x56x256xbf16>
    %get3A_284 = vector.shape_cast %get3A_283 : vector<1x1x1x56x56x256xbf16> to vector<56x56x256xbf16>
    %reshape3A_285 = vector.shape_cast %get3A_284 : vector<56x56x256xbf16> to vector<3136x256xbf16>
    %get3A_286 = arith.constant 0 : index
    %get3A_287 = arith.constant 0 : index
    %get3A_288 = arith.constant 2 : index
    %get3A_289 = arith.constant 1 : index
    %get3A_290 = arith.constant 0 : index
    %get3A_291 = arith.constant 0 : index
    %get3A_292 = vector.load %arg2[%get3A_286, %get3A_287, %get3A_288, %get3A_289, %get3A_290, %get3A_291] : memref<2x2x3x3x256x16xbf16, #tpu.memory_space<vmem>>, vector<1x1x1x1x256x16xbf16>
    %get3A_293 = vector.shape_cast %get3A_292 : vector<1x1x1x1x256x16xbf16> to vector<256x16xbf16>
    %dot_general3A_294 = arith.constant dense<0.000000e+00> : vector<3136x16xf32>
    %dot_general3A_295 = tpu.matmul %reshape3A_285, %get3A_293, %dot_general3A_294 {dimension_numbers = #tpu.dot_dimension_numbers<[1], [0], [0], [1], [0, 0, 1, 1], [], []>, transpose_lhs_hint = false} : vector<3136x256xbf16>, vector<256x16xbf16>, vector<3136x16xf32> -> vector<3136x16xf32>
    %add3A_296 = arith.addf %add3A_276, %dot_general3A_295 : vector<3136x16xf32>
    %get3A_297 = arith.constant 0 : index
    %get3A_298 = arith.constant 0 : index
    %get3A_299 = arith.constant 0 : index
    %get3A_300 = arith.constant 2 : index
    %get3A_301 = arith.constant 2 : index
    %get3A_302 = arith.constant 0 : index
    %get3A_303 = vector.load %arg1[%get3A_297, %get3A_298, %get3A_299, %get3A_300, %get3A_301, %get3A_302] : memref<1x2x2x58x58x256xbf16, #tpu.memory_space<vmem>>, vector<1x1x1x56x56x256xbf16>
    %get3A_304 = vector.shape_cast %get3A_303 : vector<1x1x1x56x56x256xbf16> to vector<56x56x256xbf16>
    %reshape3A_305 = vector.shape_cast %get3A_304 : vector<56x56x256xbf16> to vector<3136x256xbf16>
    %get3A_306 = arith.constant 0 : index
    %get3A_307 = arith.constant 0 : index
    %get3A_308 = arith.constant 2 : index
    %get3A_309 = arith.constant 2 : index
    %get3A_310 = arith.constant 0 : index
    %get3A_311 = arith.constant 0 : index
    %get3A_312 = vector.load %arg2[%get3A_306, %get3A_307, %get3A_308, %get3A_309, %get3A_310, %get3A_311] : memref<2x2x3x3x256x16xbf16, #tpu.memory_space<vmem>>, vector<1x1x1x1x256x16xbf16>
    %get3A_313 = vector.shape_cast %get3A_312 : vector<1x1x1x1x256x16xbf16> to vector<256x16xbf16>
    %dot_general3A_314 = arith.constant dense<0.000000e+00> : vector<3136x16xf32>
    %dot_general3A_315 = tpu.matmul %reshape3A_305, %get3A_313, %dot_general3A_314 {dimension_numbers = #tpu.dot_dimension_numbers<[1], [0], [0], [1], [0, 0, 1, 1], [], []>, transpose_lhs_hint = false} : vector<3136x256xbf16>, vector<256x16xbf16>, vector<3136x16xf32> -> vector<3136x16xf32>
    %add3A_316 = arith.addf %add3A_296, %dot_general3A_315 : vector<3136x16xf32>
    %get3A_317 = arith.constant 0 : index
    %get3A_318 = arith.constant 0 : index
    %get3A_319 = vector.load %arg3[%get3A_317, %get3A_318] : memref<1x1xf32, #tpu.memory_space<vmem>>, vector<1x1xf32>
    %get3A_320 = vector.shape_cast %get3A_319 : vector<1x1xf32> to vector<1xf32>
    %broadcast_in_dim3A_321 = vector.shape_cast %get3A_320 : vector<1xf32> to vector<1x1xf32>
    %add3A_322 = vector.broadcast %broadcast_in_dim3A_321 : vector<1x1xf32> to vector<3136x16xf32>
    %add3A_323 = arith.addf %add3A_316, %add3A_322 : vector<3136x16xf32>
    %logistic3A = arith.negf %add3A_323 : vector<3136x16xf32>
    %logistic3A_324 = math.exp %logistic3A : vector<3136x16xf32>
    %logistic3A_325 = arith.constant 1.000000e+00 : f32
    %logistic3A_326 = vector.broadcast %logistic3A_325 : f32 to vector<3136x16xf32>
    %logistic3A_327 = arith.addf %logistic3A_326, %logistic3A_324 : vector<3136x16xf32>
    %logistic3A_328 = arith.divf %logistic3A_326, %logistic3A_327 : vector<3136x16xf32>
    %reshape3A_329 = vector.shape_cast %logistic3A_328 : vector<3136x16xf32> to vector<56x56x16xf32>
    %swap3A = arith.constant 0 : index
    %swap3A_330 = arith.constant 0 : index
    %swap3A_331 = arith.constant 0 : index
    %swap3A_332 = arith.constant 0 : index
    %swap3A_333 = vector.load %arg4[%swap3A, %swap3A_330, %swap3A_331, %swap3A_332] : memref<1x56x56x16xf32, #tpu.memory_space<vmem>>, vector<1x56x56x16xf32>
    %swap3A_334 = vector.shape_cast %swap3A_333 : vector<1x56x56x16xf32> to vector<56x56x16xf32>
    %swap3A_335 = vector.shape_cast %reshape3A_329 : vector<56x56x16xf32> to vector<1x56x56x16xf32>
    tpu.vector_store %arg4[%swap3A, %swap3A_330, %swap3A_331, %swap3A_332], %swap3A_335 {strides = array<i32>} : memref<1x56x56x16xf32, #tpu.memory_space<vmem>>, vector<1x56x56x16xf32>,
    return
  }
  func.func @transform_0(%arg0: i32) -> (i32, i32, i32, i32, i32, i32) {
    %c0_i32 = arith.constant 0 : i32
    %c0_i32_0 = arith.constant 0 : i32
    %c0_i32_1 = arith.constant 0 : i32
    %c0_i32_2 = arith.constant 0 : i32
    %c0_i32_3 = arith.constant 0 : i32
    %c0_i32_4 = arith.constant 0 : i32
    return %arg0, %c0_i32, %c0_i32_0, %c0_i32_1, %c0_i32_2, %c0_i32_3 : i32, i32, i32, i32, i32, i32
  }
  func.func @transform_1(%arg0: i32) -> (i32, i32, i32, i32, i32, i32) {
    %c0_i32 = arith.constant 0 : i32
    %c0_i32_0 = arith.constant 0 : i32
    %c0_i32_1 = arith.constant 0 : i32
    %c0_i32_2 = arith.constant 0 : i32
    %c0_i32_3 = arith.constant 0 : i32
    %c0_i32_4 = arith.constant 0 : i32
    %c0_i32_5 = arith.constant 0 : i32
    return %c0_i32, %c0_i32_0, %c0_i32_1, %c0_i32_2, %c0_i32_3, %c0_i32_4 : i32, i32, i32, i32, i32, i32
  }
  func.func @transform_2(%arg0: i32) -> (i32, i32) {
    %c0_i32 = arith.constant 0 : i32
    %c0_i32_0 = arith.constant 0 : i32
    %c0_i32_1 = arith.constant 0 : i32
    return %c0_i32, %c0_i32_0 : i32, i32
  }
  func.func @transform_3(%arg0: i32) -> (i32, i32, i32, i32) {
    %c0_i32 = arith.constant 0 : i32
    %c0_i32_0 = arith.constant 0 : i32
    %c0_i32_1 = arith.constant 0 : i32
    %c0_i32_2 = arith.constant 0 : i32
    return %arg0, %c0_i32, %c0_i32_0, %c0_i32_1 : i32, i32, i32, i32
  }
}

</mosaic_0001>

<sc_bundles>
// kernel: kernel.9.cloned.1.call-start
scs
__scs_entry_jumppad:
0x0: {  	(pc) =	sbr.rel $0x88, $3  }
0x1: {  	(tag) =	ssettag $0x0;
	lr =	simm.s32 $0x1  }
0x2: {  	[smem:$0x3F8F] =	sst lr;
	_ =	strace $0xD0000000  }
0x3: {  	_ = 	snop  }
0x4: {  	_ = 	snop  }
0x5: {  	_ = 	snop  }
0x6: {  	_ = 	snop  }
0x7: {  	_ = 	snop  }
__scs_overlays_trampoline_lowered:
0x8: {  	[smem:$0x3F9E] =	sst s0  }
0x9: {  	[smem:$0x3F9F] =	sst s1  }
0xa: {  	[smem:$0x3FA0] =	sst s2  }
0xb: {  	[smem:$0x3FA1] =	sst s3  }
0xc: {  	[smem:$0x3FA2] =	sst s4  }
0xd: {  	[smem:$0x3FA3] =	sst s5  }
0xe: {  	[smem:$0x3FA4] =	sst s6  }
0xf: {  	[smem:$0x3FA5] =	sst s7  }
0x10: {  	[smem:$0x3FA6] =	sst s8  }
0x11: {  	[smem:$0x3FA7] =	sst s9;
	s0 =	simm.s32 @!p0 $0x0  }
0x12: {  	s1 =	sld [smem:$0x3F8D];
	s0 =	simm.s32 @p0 $0x1  }
0x13: {  	[smem:$0x3FA8] =	sst s0;
	s0 =	simm.s32 @!p1 $0x0  }
0x14: {  	s2 =	sld [smem:$0x3F8C];
	s0 =	simm.s32 @p1 $0x1  }
0x15: {  	[smem:$0x3FA9] =	sst s0;
	s0 =	simm.s32 @!p2 $0x0  }
0x16: {  	s3 =	sld [smem:$0x3FDB];
	s0 =	simm.s32 @p2 $0x1  }
0x17: {  	s4 =	simm.s32 $0x1BF5;
	[smem:$0x3FAB] =	sst s0  }
0x18: {  	s0 =	sld [smem:$0x3F8E];
	_ =	swait.ge [sflag:s4], $0x0  }
0x19: {  	s7 =	sld [smem:$0x3F8F]  }
0x1a: {  	s8 =	sadd.s32 $0xFFFFE003, lr  }
0x1b: {  	s9 =	sadd.s32 $0xFFFFFEF7, lr;
	s5 =	simm.s32 $0xFFFFFFFF;
	p2 =	slt.u32 s8, $0xFFFFF086  }
0x1c: {  	p1 =	slt.u32 s9, $0xF7A;
	s5 =	simm.s32 @!p2 $0x0  }
0x1d: {  	s5 =	simm.s32 @p1 $0x1;
	p0 =	seq.s32 s7, s2  }
0x1e: {  	s7 =	smul.u32 @!p0 $0xF7A, s2;
	p2 =	seq.s32 @!p0 s5, $0x0  }
0x1f: {  	s9 =	smul.u32 $0xF7A, s1;
	s8 =	simm.s32 @!p0 $0x1BF5;
	p2 =	por !p2, p0  }
0x20: {  	[sflag:s8] =	ssyncset.s32 @!p0 $0xFFFFF086;
	s6 =	sadd.s32 @!p0 s3, s7;
	s7 =	simm.s32 @!p0 $0x108  }
0x21: {  	s3 =	sadd.s32 s3, s9;
	s6 =	sadd.s32 @!p0 $0x88, s6;
	s7 =	simm.s32 @p2 $0x1082  }
0x22: {  	[simem:s7], [sflag:s8] =	dma.local @!p0 [hbm:s6], $0xF7A  }
0x23: {  	s9 =	sor.u32 $0xD0000000, s2;
	s6 =	simm.s32 $0x108;
	_ =	swait.ge @!p0 [sflag:s8], $0x0  }
0x24: {  	s3 =	sadd.s32 $0x88, s3;
	s6 =	simm.s32 @!p1 $0x1082;
	[sflag:s4] =	ssyncset.s32 $0xFFFFF086  }
0x25: {  	[simem:s6], [sflag:s4] =	dma.local [hbm:s3], $0xF7A  }
0x26: {  	[smem:$0x3F8F] =	sst s1;
	(tag) =	ssettag s2;
	_ =	strace s9  }
0x27: {  	s1 =	sld [smem:$0x3F9F]  }
0x28: {  	s2 =	sld [smem:$0x3FA0]  }
0x29: {  	s4 =	sld [smem:$0x3FA2]  }
0x2a: {  	p0 =	seq.s32 s5, $0x0;
	s5 =	sld [smem:$0x3FA3]  }
0x2b: {  	s6 =	sld [smem:$0x3FA4]  }
0x2c: {  	s7 =	sld [smem:$0x3FA5]  }
0x2d: {  	s3 =	simm.s32 $0x108;
	s8 =	sld [smem:$0x3FA6]  }
0x2e: {  	s3 =	simm.s32 @!p0 $0x1082;
	s9 =	sld [smem:$0x3FA7]  }
0x2f: {  	lr =	sadd.s32 s0, s3;
	s0 =	sld [smem:$0x3F9E]  }
0x30: {  	s3 =	sld [smem:$0x3FA1]  }
0x31: {  	[smem:$0x3FAA] =	sst s10  }
0x32: {  	s10 =	sld [smem:$0x3FA8];
	_ =	sdelay $0x3  }
0x33: {  	p0 =	seq.s32 s10, $0x1;
	s10 =	sld [smem:$0x3FAA];
	_ =	sdelay $0x3  }
0x34: {  	[smem:$0x3FAA] =	sst s10  }
0x35: {  	s10 =	sld [smem:$0x3FA9];
	_ =	sdelay $0x3  }
0x36: {  	p1 =	seq.s32 s10, $0x1;
	s10 =	sld [smem:$0x3FAA];
	_ =	sdelay $0x3  }
0x37: {  	[smem:$0x3FAA] =	sst s10  }
0x38: {  	s10 =	sld [smem:$0x3FAB]  }
0x39: {  	_ = 	snop;
	(pc) =	sbr.ind lr, $3  }
0x3a: {  	_ = 	snop  }
0x3b: {  	_ = 	snop  }
0x3c: {  	p2 =	seq.s32 s10, $0x1;
	s10 =	sld [smem:$0x3FAA]  }
0x3d: {  	_ =	shalt  }
0x3e: {  	_ =	shalt  }
0x3f: {  	_ =	shalt  }
0x40: {  	_ =	shalt  }
0x41: {  	_ =	shalt  }
0x42: {  	_ =	shalt  }
0x43: {  	_ =	shalt  }
0x44: {  	_ =	shalt  }
0x45: {  	_ =	shalt  }
0x46: {  	_ =	shalt  }
0x47: {  	_ =	shalt  }
0x48: {  	_ =	shalt  }
0x49: {  	_ =	shalt  }
0x4a: {  	_ =	shalt  }
0x4b: {  	_ =	shalt  }
0x4c: {  	_ =	shalt  }
0x4d: {  	_ =	shalt  }
0x4e: {  	_ =	shalt  }
0x4f: {  	_ =	shalt  }
0x50: {  	_ =	shalt  }
0x51: {  	_ =	shalt  }
0x52: {  	_ =	shalt  }
0x53: {  	_ =	shalt  }
0x54: {  	_ =	shalt  }
0x55: {  	_ =	shalt  }
0x56: {  	_ =	shalt  }
0x57: {  	_ =	shalt  }
0x58: {  	_ =	shalt  }
0x59: {  	_ =	shalt  }
0x5a: {  	_ =	shalt  }
0x5b: {  	_ =	shalt  }
0x5c: {  	_ =	shalt  }
0x5d: {  	_ =	shalt  }
0x5e: {  	_ =	shalt  }
0x5f: {  	_ =	shalt  }
0x60: {  	_ =	shalt  }
0x61: {  	_ =	shalt  }
0x62: {  	_ =	shalt  }
0x63: {  	_ =	shalt  }
0x64: {  	_ =	shalt  }
0x65: {  	_ =	shalt  }
0x66: {  	_ =	shalt  }
0x67: {  	_ =	shalt  }
0x68: {  	_ =	shalt  }
0x69: {  	_ =	shalt  }
0x6a: {  	_ =	shalt  }
0x6b: {  	_ =	shalt  }
0x6c: {  	_ =	shalt  }
0x6d: {  	_ =	shalt  }
0x6e: {  	_ =	shalt  }
0x6f: {  	_ =	shalt  }
0x70: {  	_ =	shalt  }
0x71: {  	_ =	shalt  }
0x72: {  	_ =	shalt  }
0x73: {  	_ =	shalt  }
0x74: {  	_ =	shalt  }
0x75: {  	_ =	shalt  }
0x76: {  	_ =	shalt  }
0x77: {  	_ =	shalt  }
0x78: {  	_ =	shalt  }
0x79: {  	_ =	shalt  }
0x7a: {  	_ =	shalt  }
0x7b: {  	_ =	shalt  }
0x7c: {  	_ =	shalt  }
0x7d: {  	_ =	shalt  }
0x7e: {  	_ =	shalt  }
0x7f: {  	_ =	shalt  }
0x80: {  	_ =	shalt  }
0x81: {  	_ =	shalt  }
0x82: {  	_ =	shalt  }
0x83: {  	_ =	shalt  }
0x84: {  	_ =	shalt  }
0x85: {  	_ =	shalt  }
0x86: {  	_ =	shalt  }
0x87: {  	_ =	shalt  }
.Lfunc_end0:
.L_simem_size_0:
called_computation_lowered:
.L_overlay_start_0:
0x88: {  	s2 =	sld [smem:$0x3FD9]  }
0x89: {  	s3 =	sld [smem:$0x3FFE];
	_ =	sdelay $0x1  }
0x8a: {  	s1 =	srdreg.scid  }
0x8b: {  	s0 =	sand.u32 $0x1, s1  }
0x8c: {  	s17 =	sshll.u32 s0, $0xA;
	s2 =	sadd.s32 s3, s2  }
0x8d: {  	s2 =	sadd.s32 s2, s17  }
0x8e: {  	[smem:$0x3FB6] =	sst s2  }
0x8f: {  	_ = 	snop  }
0x90: {  	s2 =	sld [smem:$0x3FD0];
	(tm) =	ssettm $0x1  }
0x91: {  	s18 =	sld [smem:$0x3FFB];
	_ =	sdelay $0x3  }
0x92: {  	_ =	strace s18  }
0x93: {  	s3 =	sld [smem:$0x3FFC];
	_ =	sdelay $0x3  }
0x94: {  	_ =	strace s3  }
0x95: {  	s3 =	sld [smem:$0x3FFD];
	_ =	sdelay $0x3  }
0x96: {  	_ =	strace s3  }
0x97: {  	_ =	strace $0x8FFFFFFF  }
0x98: {  	s19 =	sld [smem:$0x3FDB];
	_ =	sdelay $0x1  }
0x99: {  	s4 =	simm.s32 $_scs_section_size  }
0x9a: {  	s5 =	simm.s32 $_size__tile_overlayer_lowered;
	s6 =	simm.s32 $_tile_overlayer_lowered  }
0x9b: {  	s22 =	simm.s32 $0x1BFF;
	s21 =	sshll.u32 s6, $0x1;
	s3 =	sadd.s32 s4, s19  }
0x9c: {  	s7 =	simm.s32 $0x0;
	s20 =	sshll.u32 s5, $0x1;
	s5 =	sadd.s32 s21, s3  }
0x9d: {  	[timem:s7], [sflag:s22] =	dma.local [hbm:s5], s20  }
0x9e: {  	_ =	swait.ge [sflag:s22], s20  }
0x9f: {  	s4 =	ssub.s32 $0x0, s20;
	[sflag:s22] =	ssyncset.done $0x0  }
0xa0: {  	[sflag:s22] =	ssyncadd.s32 s4;
	_ =	sdelay $0x1  }
0xa1: {  	s23 =	simm.s32 $0x1B8B  }
0xa2: {  	_ =	swait.ge [sflag:s23], $0x1  }
0xa3: {  	[sflag:s23] =	ssyncset.done $0x0  }
0xa4: {  	s25 =	simm.s32 $0x1B8E;
	s24 =	sld [smem:$0x3FFE];
	[sflag:s23] =	ssyncadd.s32 $0xFFFFFFFF  }
0xa5: {  	s26 =	simm.s32 $execute0_lowered;
	[smem:$0x3FD2] =	sst s25  }
0xa6: {  	s5 =	sshll.u32 s26, $0x1;
	_ =	strace $0x80000046;
	[dreg:$0x1] =	wrdreg $0xFFFFFFFF  }
0xa7: {  	s28 =	simm.s32 $_size_execute0_lowered;
	s3 =	sadd.s32 s3, s5;
	[dreg:$0x0] =	wrdreg $0x0  }
0xa8: {  	s5 =	sshll.u32 s28, $0x1;
	[dreg:$0x2] =	wrdreg s3  }
0xa9: {  	[dreg:$0x3] =	wrdreg s5  }
0xaa: {  	[dreg:$0x4] =	wrdreg $0xC0  }
0xab: {  	_ =	task [dreg:s7], $0x5FFFF  }
0xac: {  	[dreg:$0x1] =	wrdreg $0xFFFFFFFF  }
0xad: {  	[dreg:$0x0] =	wrdreg $0x60  }
0xae: {  	[dreg:$0x2] =	wrdreg s2  }
0xaf: {  	[dreg:$0x3] =	wrdreg s24  }
0xb0: {  	[dreg:$0x4] =	wrdreg $0x18B800  }
0xb1: {  	[dreg:$0x5] =	wrdreg $0x9  }
0xb2: {  	_ =	task.clear_ibuf [dreg:s7], $0x6FFFF;
	_ =	strace $0x90000046  }
0xb3: {  	s29 =	simm.s32 $0x9;
	_ =	strace $0x80000048  }
0xb4: {  	_ =	swait.ge [sflag:s29], $0x1  }
0xb5: {  	[sflag:s29] =	ssyncadd.s32 $0xFFFFFFFF  }
0xb6: {  	_ =	strace $0x90000048  }
0xb7: {  	_ =	sfence  }
0xb8: {  	s30 =	sld [smem:$0x0];
	_ =	sdelay $0x2  }
0xb9: {  	s31 =	sshll.u32 s1, $0xD;
	s1 =	sshrl.u32 s1, $0x2  }
0xba: {  	s3 =	sand.u32 $0x4000, s31;
	s1 =	sadd.s32 s1, s30  }
0xbb: {  	s0 =	sor.u32 s3, s0;
	s1 =	sshll.u32 s1, $0x11  }
0xbc: {  	s0 =	sor.u32 s1, s0  }
0xbd: {  	s0 =	sadd.s32 $0x8F2B, s0  }
0xbe: {  	[sflag:s0] =	ssyncadd.remote.s32 $0x1  }
0xbf: {  	_ =	sfence.sel $0xFFFF  }
0xc0: {  	[dreg:$0x0] =	wrdreg $0xFFFFFFFF;
	(pc) =	sbr.abs _section_cstart, $3  }
0xc1: {  	[dreg:$0x1] =	wrdreg $0xFFFFFFFF  }
0xc2: {  	_ =	task.clear_ibuf [dreg:s7], $0x2FFFF;
	_ =	strace $0x9FFFFFFF  }
0xc3: {  	(tm) =	ssettm $0x7FFFFFFF  }
tec
execute0_lowered:
.L_overlay_start_1:
0x0: {  	(tag) =	ssettag $0x1  }
0x1: {  	s6 =	rddreg [dreg:$0x0];
	s0 =	srdreg.scid  }
0x2: {  	s2 =	stileid.u32;
	s3 =	rddreg [dreg:$0x1]  }
0x3: {  	s5 =	rddreg [dreg:$0x2];
	s4 =	sand.u32 $0x1, s0;
	s30 =	sshll.u32 s2, $0x1  }
0x4: {  	s1 =	simm.s32 $0x0;
	s10 =	simm.s32 $0x3B80;
	s7 =	sor.u32 s4, s30  }
0x5: {  	s11 =	simm.s32 $0xE0;
	s4 =	ssub.s32 $0x2, s4;
	s8 =	smul.u32 $0x62, s7  }
0x6: {  	s12 =	simm.s32 $0x7380;
	s7 =	smul.u32 $0x3100, s7;
	s31 =	sshrl.u32 s4, $0x1  }
0x7: {  	s13 =	simm.s32 $0x150;
	s14 =	simm.s32 $0xAB80;
	s4 =	ssub.s32 s4, s31  }
0x8: {  	s8 =	sadd.s32 s8, s3;
	s3 =	sadd.s32 s7, s3;
	s7 =	smax.u32 s4, $0x1  }
0x9: {  	s15 =	simm.s32 $0x1C0;
	s16 =	simm.s32 $0xE380;
	s24 =	sadd.s32 $0xFFFFFFFF, s7  }
0xa: {  	s17 =	simm.s32 $0x230;
	s18 =	simm.s32 $0x11B80;
	p2 =	sne.s32 s24, $0x0  }
.Ltmp0:
0xb: {  	s19 =	simm.s32 $0x2A0;
	s21 =	simm.s32 $0x15380;
	(pc) =	sbr.rel @!p2 .LBB2_3-.Ltmp0, $4  }
0xc: {  	p1 =	por $0x0, $0x0;
	[smem:$0x7FF] =	sst s1;
	p0 =	sne.s32 s2, $0x0  }
0xd: {  	s0 =	rddreg [dreg:$0x3];
	_ =	strace $0x80000047;
	s20 =	sshrl.u32 @!p0 s5, $0x3  }
0xe: {  	s4 =	simm.s32 $0x380;
	s9 =	sadd.s32 $0x2E00, s8;
	s2 =	sadd.s32 $0x3C00, s3  }
0xf: {  	s3 =	simm.s32 $0x2;
	s8 =	simm.s32 $0x70;
	s7 =	simm.s32 $0x1  }
0x10: {  	s22 =	simm.s32 @!p0 $0x1C02;
	s23 =	simm.s32 @!p0 $0x2  }
0x11: {  	[spmem:s20], [sflag:s22] =	dma.local @!p0 [hbm:s6], $0x4000  }
0x12: {  	_ =	swait.ge @!p0 [sflag:s23], $0x4000  }
0x13: {  	[sflag:s23] =	ssyncset.done @!p0 $0x0  }
0x14: {  	[sflag:s23] =	ssyncadd.s32 @!p0 $0xFFFFC000  }
0x15: {  	[tilespmem:s1], [sflag:$0x2] =	stream.linear.gather [hbm4b:s9+s1], $0x310, $0x38;
	[tilespmem:$0x1AB80] =	vst v63  }
0x16: {  	_ =	swait.ge [sflag:s3], $0x310  }
0x17: {  	[sflag:s3] =	ssyncset.done $0x0  }
0x18: {  	[sflag:s3] =	ssyncadd.s32 $0xFFFFFCF0  }
0x19: {  	[bflag:$0x0] =	sbarrier.arrive $0xFFFF  }
0x1a: {  	[tilespmem:s4], [sflag:$0x1] =	stream.indirect.gather [spmem:s5], $0x80, s1, s8, $0xb8;
	[tilespmem:$0x1AB80] =	vst v63  }
0x1b: {  	_ = 	snop  }
0x1c: {  	[tilespmem:s10], [sflag:$0x1] =	stream.indirect.gather [spmem:s5], $0x80, s8, s8, $0xb8;
	[tilespmem:$0x1AB80] =	vst v63  }
0x1d: {  	_ = 	snop  }
0x1e: {  	[tilespmem:s12], [sflag:$0x1] =	stream.indirect.gather [spmem:s5], $0x80, s11, s8, $0xb8;
	[tilespmem:$0x1AB80] =	vst v63  }
0x1f: {  	_ = 	snop  }
0x20: {  	[tilespmem:s14], [sflag:$0x1] =	stream.indirect.gather [spmem:s5], $0x80, s13, s8, $0xb8;
	[tilespmem:$0x1AB80] =	vst v63  }
0x21: {  	_ = 	snop  }
0x22: {  	[tilespmem:s16], [sflag:$0x1] =	stream.indirect.gather [spmem:s5], $0x80, s15, s8, $0xb8;
	[tilespmem:$0x1AB80] =	vst v63  }
0x23: {  	_ = 	snop  }
0x24: {  	[tilespmem:s18], [sflag:$0x1] =	stream.indirect.gather [spmem:s5], $0x80, s17, s8, $0xb8;
	[tilespmem:$0x1AB80] =	vst v63  }
0x25: {  	_ = 	snop  }
0x26: {  	[tilespmem:s21], [sflag:$0x1] =	stream.indirect.gather [spmem:s5], $0x80, s19, s8, $0xb8;
	[tilespmem:$0x1AB80] =	vst v63  }
0x27: {  	_ =	swait.ge [sflag:s7], $0x3800  }
0x28: {  	[sflag:s7] =	ssyncset.done $0x0  }
0x29: {  	[sflag:s7] =	ssyncadd.s32 $0xFFFFC800  }
0x2a: {  	_ =	swait.ge [sflag:s7], $0x3800  }
0x2b: {  	[sflag:s7] =	ssyncset.done $0x0  }
0x2c: {  	[sflag:s7] =	ssyncadd.s32 $0xFFFFC800  }
0x2d: {  	_ =	swait.ge [sflag:s7], $0x3800  }
0x2e: {  	[sflag:s7] =	ssyncset.done $0x0  }
0x2f: {  	[sflag:s7] =	ssyncadd.s32 $0xFFFFC800  }
0x30: {  	_ =	swait.ge [sflag:s7], $0x3800  }
0x31: {  	[sflag:s7] =	ssyncset.done $0x0  }
0x32: {  	[sflag:s7] =	ssyncadd.s32 $0xFFFFC800  }
0x33: {  	_ =	swait.ge [sflag:s7], $0x3800  }
0x34: {  	[sflag:s7] =	ssyncset.done $0x0  }
0x35: {  	[sflag:s7] =	ssyncadd.s32 $0xFFFFC800  }
0x36: {  	_ =	swait.ge [sflag:s7], $0x3800  }
0x37: {  	[sflag:s7] =	ssyncset.done $0x0  }
0x38: {  	s24 =	sadd.s32 $0xFFFFFFFF, s24;
	[sflag:s7] =	ssyncadd.s32 $0xFFFFC800  }
0x39: {  	p2 =	sne.s32 s24, $0x0;
	_ =	swait.ge [sflag:s7], $0x3800  }
.Ltmp1:
0x3a: {  	[sflag:s7] =	ssyncset.done $0x0;
	(pc) =	sbr.rel @!p2 .LBB2_3-.Ltmp1, $4  }
0x3b: {  	[sflag:s7] =	ssyncadd.s32 $0xFFFFC800  }
0x3c: {  	[hbm4b:s2+s1] =	stream.linear.scatter [tilespmem:s4], [sflag:$0x2], $0x18800, $0x38;
	[tilespmem:$0x1AB80] =	vst v63  }
0x3d: {  	_ =	swait.ge [sflag:s3], $0x18800  }
0x3e: {  	p1 =	por $0x1, $0x1;
	[sflag:s3] =	ssyncset.done $0x0  }
.LBB2_2:
0x3f: {  	[sflag:s3] =	ssyncadd.s32 $0xFFFE7800  }
0x40: {  	[spmem:s20], [sflag:s22] =	dma.local @!p0 [hbm:s6], $0x4000  }
0x41: {  	s24 =	sadd.s32 $0xFFFFFFFF, s24;
	_ =	swait.ge @!p0 [sflag:s23], $0x4000  }
0x42: {  	p2 =	sne.s32 s24, $0x0;
	[sflag:s23] =	ssyncset.done @!p0 $0x0  }
0x43: {  	[sflag:s23] =	ssyncadd.s32 @!p0 $0xFFFFC000  }
0x44: {  	[tilespmem:s1], [sflag:$0x2] =	stream.linear.gather [hbm4b:s9+s1], $0x310, $0x38;
	[tilespmem:$0x1AB80] =	vst v63  }
0x45: {  	_ =	swait.ge [sflag:s3], $0x310  }
0x46: {  	[sflag:s3] =	ssyncset.done $0x0  }
0x47: {  	[sflag:s3] =	ssyncadd.s32 $0xFFFFFCF0  }
0x48: {  	[bflag:$0x0] =	sbarrier.arrive $0xFFFF  }
0x49: {  	[tilespmem:s4], [sflag:$0x1] =	stream.indirect.gather [spmem:s5], $0x80, s1, s8, $0xb8;
	[tilespmem:$0x1AB80] =	vst v63  }
0x4a: {  	_ = 	snop  }
0x4b: {  	[tilespmem:s10], [sflag:$0x1] =	stream.indirect.gather [spmem:s5], $0x80, s8, s8, $0xb8;
	[tilespmem:$0x1AB80] =	vst v63  }
0x4c: {  	_ = 	snop  }
0x4d: {  	[tilespmem:s12], [sflag:$0x1] =	stream.indirect.gather [spmem:s5], $0x80, s11, s8, $0xb8;
	[tilespmem:$0x1AB80] =	vst v63  }
0x4e: {  	_ = 	snop  }
0x4f: {  	[tilespmem:s14], [sflag:$0x1] =	stream.indirect.gather [spmem:s5], $0x80, s13, s8, $0xb8;
	[tilespmem:$0x1AB80] =	vst v63  }
0x50: {  	_ = 	snop  }
0x51: {  	[tilespmem:s16], [sflag:$0x1] =	stream.indirect.gather [spmem:s5], $0x80, s15, s8, $0xb8;
	[tilespmem:$0x1AB80] =	vst v63  }
0x52: {  	_ = 	snop  }
0x53: {  	[tilespmem:s18], [sflag:$0x1] =	stream.indirect.gather [spmem:s5], $0x80, s17, s8, $0xb8;
	[tilespmem:$0x1AB80] =	vst v63  }
0x54: {  	_ = 	snop  }
0x55: {  	[tilespmem:s21], [sflag:$0x1] =	stream.indirect.gather [spmem:s5], $0x80, s19, s8, $0xb8;
	[tilespmem:$0x1AB80] =	vst v63  }
0x56: {  	_ =	swait.ge [sflag:s7], $0x3800  }
0x57: {  	[sflag:s7] =	ssyncset.done $0x0  }
0x58: {  	[sflag:s7] =	ssyncadd.s32 $0xFFFFC800  }
0x59: {  	_ =	swait.ge [sflag:s7], $0x3800  }
0x5a: {  	[sflag:s7] =	ssyncset.done $0x0  }
0x5b: {  	[sflag:s7] =	ssyncadd.s32 $0xFFFFC800  }
0x5c: {  	_ =	swait.ge [sflag:s7], $0x3800  }
0x5d: {  	[sflag:s7] =	ssyncset.done $0x0  }
0x5e: {  	[sflag:s7] =	ssyncadd.s32 $0xFFFFC800  }
0x5f: {  	_ =	swait.ge [sflag:s7], $0x3800  }
0x60: {  	[sflag:s7] =	ssyncset.done $0x0  }
0x61: {  	[sflag:s7] =	ssyncadd.s32 $0xFFFFC800  }
0x62: {  	_ =	swait.ge [sflag:s7], $0x3800  }
0x63: {  	[sflag:s7] =	ssyncset.done $0x0  }
0x64: {  	[sflag:s7] =	ssyncadd.s32 $0xFFFFC800  }
0x65: {  	_ =	swait.ge [sflag:s7], $0x3800  }
0x66: {  	[sflag:s7] =	ssyncset.done $0x0  }
0x67: {  	[sflag:s7] =	ssyncadd.s32 $0xFFFFC800  }
0x68: {  	_ =	swait.ge [sflag:s7], $0x3800  }
.Ltmp2:
0x69: {  	[sflag:s7] =	ssyncset.done $0x0;
	(pc) =	sbr.rel @p2 .LBB2_2-.Ltmp2, $4  }
0x6a: {  	[sflag:s7] =	ssyncadd.s32 $0xFFFFC800  }
0x6b: {  	[hbm4b:s2+s1] =	stream.linear.scatter [tilespmem:s4], [sflag:$0x2], $0x18800, $0x38;
	[tilespmem:$0x1AB80] =	vst v63  }
0x6c: {  	_ =	swait.ge [sflag:s3], $0x18800  }
0x6d: {  	[sflag:s3] =	ssyncset.done $0x0  }
.LBB2_3:
0x6e: {  	s22 =	simm.s32 @!p0 $0x1C02;
	s23 =	simm.s32 @!p0 $0x2;
	[sflag:s3] =	ssyncadd.s32 @p1 $0xFFFE7800  }
0x6f: {  	[spmem:s20], [sflag:s22] =	dma.local @!p0 [hbm:s6], $0x4000  }
0x70: {  	_ =	swait.ge @!p0 [sflag:s23], $0x4000  }
0x71: {  	[sflag:s23] =	ssyncset.done @!p0 $0x0  }
0x72: {  	[sflag:s23] =	ssyncadd.s32 @!p0 $0xFFFFC000  }
0x73: {  	[tilespmem:s1], [sflag:$0x2] =	stream.linear.gather [hbm4b:s9+s1], $0x310, $0x38;
	[tilespmem:$0x1AB80] =	vst v63  }
0x74: {  	_ =	swait.ge [sflag:s3], $0x310  }
0x75: {  	[sflag:s3] =	ssyncset.done $0x0  }
0x76: {  	[sflag:s3] =	ssyncadd.s32 $0xFFFFFCF0  }
0x77: {  	[bflag:$0x0] =	sbarrier.arrive $0xFFFF  }
0x78: {  	[tilespmem:s4], [sflag:$0x1] =	stream.indirect.gather [spmem:s5], $0x80, s1, s8, $0xb8;
	[tilespmem:$0x1AB80] =	vst v63  }
0x79: {  	_ = 	snop  }
0x7a: {  	[tilespmem:s10], [sflag:$0x1] =	stream.indirect.gather [spmem:s5], $0x80, s8, s8, $0xb8;
	[tilespmem:$0x1AB80] =	vst v63  }
0x7b: {  	_ = 	snop  }
0x7c: {  	[tilespmem:s12], [sflag:$0x1] =	stream.indirect.gather [spmem:s5], $0x80, s11, s8, $0xb8;
	[tilespmem:$0x1AB80] =	vst v63  }
0x7d: {  	_ = 	snop  }
0x7e: {  	[tilespmem:s14], [sflag:$0x1] =	stream.indirect.gather [spmem:s5], $0x80, s13, s8, $0xb8;
	[tilespmem:$0x1AB80] =	vst v63  }
0x7f: {  	_ = 	snop  }
0x80: {  	[tilespmem:s16], [sflag:$0x1] =	stream.indirect.gather [spmem:s5], $0x80, s15, s8, $0xb8;
	[tilespmem:$0x1AB80] =	vst v63  }
0x81: {  	_ = 	snop  }
0x82: {  	[tilespmem:s18], [sflag:$0x1] =	stream.indirect.gather [spmem:s5], $0x80, s17, s8, $0xb8;
	[tilespmem:$0x1AB80] =	vst v63  }
0x83: {  	_ = 	snop  }
0x84: {  	[tilespmem:s21], [sflag:$0x1] =	stream.indirect.gather [spmem:s5], $0x80, s19, s8, $0xb8;
	[tilespmem:$0x1AB80] =	vst v63  }
0x85: {  	_ =	swait.ge [sflag:s7], $0x3800  }
0x86: {  	[sflag:s7] =	ssyncset.done $0x0  }
0x87: {  	[sflag:s7] =	ssyncadd.s32 $0xFFFFC800  }
0x88: {  	_ =	swait.ge [sflag:s7], $0x3800  }
0x89: {  	[sflag:s7] =	ssyncset.done $0x0  }
0x8a: {  	[sflag:s7] =	ssyncadd.s32 $0xFFFFC800  }
0x8b: {  	_ =	swait.ge [sflag:s7], $0x3800  }
0x8c: {  	[sflag:s7] =	ssyncset.done $0x0  }
0x8d: {  	[sflag:s7] =	ssyncadd.s32 $0xFFFFC800  }
0x8e: {  	_ =	swait.ge [sflag:s7], $0x3800  }
0x8f: {  	[sflag:s7] =	ssyncset.done $0x0  }
0x90: {  	[sflag:s7] =	ssyncadd.s32 $0xFFFFC800  }
0x91: {  	_ =	swait.ge [sflag:s7], $0x3800  }
0x92: {  	[sflag:s7] =	ssyncset.done $0x0  }
0x93: {  	[sflag:s7] =	ssyncadd.s32 $0xFFFFC800  }
0x94: {  	_ =	swait.ge [sflag:s7], $0x3800  }
0x95: {  	[sflag:s7] =	ssyncset.done $0x0  }
0x96: {  	[sflag:s7] =	ssyncadd.s32 $0xFFFFC800  }
0x97: {  	_ =	swait.ge [sflag:s7], $0x3800  }
0x98: {  	[sflag:s7] =	ssyncset.done $0x0  }
0x99: {  	[sflag:s7] =	ssyncadd.s32 $0xFFFFC800  }
0x9a: {  	[hbm4b:s2+s1] =	stream.linear.scatter [tilespmem:s4], [sflag:$0x2], $0x18800, $0x38;
	[tilespmem:$0x1AB80] =	vst v63  }
0x9b: {  	_ =	swait.ge [sflag:s3], $0x18800  }
0x9c: {  	[sflag:s3] =	ssyncset.done $0x0  }
0x9d: {  	[sflag:s3] =	ssyncadd.s32 $0xFFFE7800  }
0x9e: {  	_ =	sfence.sel $0x180000  }
0x9f: {  	[bflag:$0x0] =	sbarrier.arrive $0xFFFF  }
0xa0: {  	_ =	strace $0x90000047  }
0xa1: {  	s0 =	sadd.s32 @!p0 $0x100000, s0;
	[bflag:$0x2] =	sbarrier.arrive $0xFFFF  }
0xa2: {  	[sflag:s0] =	ssyncadd.tile.s32 @!p0 $0x1;
	_ =	shalt  }
.Lfunc_end2:
_tile_overlayer_lowered:
.L_overlay_start_2:
0xa3: {  	(tag) =	ssettag $0x2  }
0xa4: {  	s0 =	rddreg [dreg:$0x0];
	s2 =	stileid.u32  }
0xa5: {  	s1 =	rddreg [dreg:$0x1];
	p0 =	sne.s32 s2, $0x0  }
0xa6: {  	s3 =	rddreg [dreg:$0x2];
	[bflag:$0x3] =	sbarrier.arrive $0xFFFF;
	s2 =	simm.s32 @!p0 $0x1C02  }
0xa7: {  	[timem:s3], [sflag:s2] =	dma.local @!p0 [hbm:s0], s1  }
0xa8: {  	s0 =	simm.s32 @!p0 $0x2  }
0xa9: {  	_ =	swait.ge @!p0 [sflag:s0], s1  }
0xaa: {  	s1 =	ssub.s32 @!p0 $0x0, s1;
	[sflag:s0] =	ssyncset.done @!p0 $0x0  }
0xab: {  	[sflag:s0] =	ssyncadd.s32 @!p0 s1  }
0xac: {  	[bflag:$0x3] =	sbarrier.arrive $0xFFFF  }
0xad: {  	_ =	shalt  }

</sc_bundles>
